<compile_context>
chip_gen: v7x
topology: tpu7x:2x2x1
jax: 0.10.2.dev20260603
libtpu: 0.0.44.dev20260713+nightly
codegen_flags: <defaults>
</compile_context>

<pallas_src>
import functools

import jax
import jax.numpy as jnp
from jax import lax
from jax.experimental import pallas as pl
from jax.experimental.pallas import tpu as pltpu
from jax.experimental.pallas import tpu_sc as plsc

_N = 10000
_D = 128
_E = 320000

_NC = 2
_NS = 16
_NW = _NC * _NS
_DW = 16
_CHUNK = 64
_NBUF = 2
_RPT = _N // _NS
_EPW = _E // _NW
_CPW = _EPW // _CHUNK
_TAIL = _EPW - _CPW * _CHUNK
_BR = 2000
_BRP = 2000


def _tc_pre(x_ref, wcat_ref, g_ref, b_ref, bias_ref, z_ref, res_ref):
    xr = x_ref[...]
    mu = jnp.mean(xr, axis=1, keepdims=True)
    d = xr - mu
    var = jnp.mean(d * d, axis=1, keepdims=True)
    xn = d * lax.rsqrt(var + 1e-5) * g_ref[...] + b_ref[...]
    zz = lax.dot_general(xn, wcat_ref[...], (((1,), (0,)), ((), ())),
                         preferred_element_type=jnp.float32)
    res_ref[...] = zz[:, _D:] + xr + bias_ref[...]
    z_ref[...] = zz[:, :_D]


def _tc_post(acc_ref, deg_ref, res_ref, out_ref):
    agg = acc_ref[0] + acc_ref[1]
    deg = deg_ref[0, :, 0:1] + deg_ref[1, :, 0:1]
    mean = agg / jnp.maximum(deg, 1.0)
    out_ref[...] = jnp.maximum(mean + res_ref[...], 0.0)


def _sc_body(z_hbm, src_hbm, dst_hbm, zero_hbm, zerod_hbm, ones_hbm,
             out_hbm, outd_hbm,
             src_v, dst_v, rows_v, ones_v, acc_sh, deg_sh, sems):
    c = lax.axis_index("c")
    s = lax.axis_index("s")
    wid = c * _NS + s
    pltpu.sync_copy(zero_hbm, acc_sh.at[pl.ds(s * _RPT, _RPT)])
    pltpu.sync_copy(zerod_hbm, deg_sh.at[pl.ds(s * _RPT, _RPT)])
    pltpu.sync_copy(src_hbm.at[pl.ds(wid * _EPW, _EPW)], src_v)
    pltpu.sync_copy(dst_hbm.at[pl.ds(wid * _EPW, _EPW)], dst_v)
    pltpu.sync_copy(ones_hbm, ones_v)
    plsc.subcore_barrier()

    for b in range(_NBUF):
        pltpu.async_copy(
            z_hbm.at[src_v.at[pl.ds(b * _CHUNK, _CHUNK)]],
            rows_v.at[b], sems.at[b])

    def body(t, carry):
        for b in range(_NBUF):
            j = t * _NBUF + b
            pltpu.make_async_copy(
                z_hbm.at[src_v.at[pl.ds(j * _CHUNK, _CHUNK)]],
                rows_v.at[b], sems.at[b]).wait()
            pltpu.sync_copy(rows_v.at[b],
                            acc_sh.at[dst_v.at[pl.ds(j * _CHUNK, _CHUNK)]],
                            add=True)
            pltpu.sync_copy(ones_v,
                            deg_sh.at[dst_v.at[pl.ds(j * _CHUNK, _CHUNK)]],
                            add=True)

            @pl.when(j + _NBUF < _CPW)
            def _():
                pltpu.async_copy(
                    z_hbm.at[src_v.at[pl.ds((j + _NBUF) * _CHUNK, _CHUNK)]],
                    rows_v.at[b], sems.at[b])
        return carry

    lax.fori_loop(0, _CPW // _NBUF, body, 0)
    pltpu.sync_copy(
        z_hbm.at[src_v.at[pl.ds(_CPW * _CHUNK, _TAIL)]],
        rows_v.at[0, pl.ds(0, _TAIL)])
    pltpu.sync_copy(rows_v.at[0, pl.ds(0, _TAIL)],
                    acc_sh.at[dst_v.at[pl.ds(_CPW * _CHUNK, _TAIL)]],
                    add=True)
    pltpu.sync_copy(ones_v.at[pl.ds(0, _TAIL)],
                    deg_sh.at[dst_v.at[pl.ds(_CPW * _CHUNK, _TAIL)]],
                    add=True)
    plsc.subcore_barrier()
    pltpu.sync_copy(acc_sh.at[pl.ds(s * _RPT, _RPT)],
                    out_hbm.at[c, pl.ds(s * _RPT, _RPT)])
    pltpu.sync_copy(deg_sh.at[pl.ds(s * _RPT, _RPT)],
                    outd_hbm.at[c, pl.ds(s * _RPT, _RPT)])


@functools.cache
def _sc_scatter():
    return pl.kernel(
        _sc_body,
        out_type=(
            jax.ShapeDtypeStruct((_NC, _N, _D), jnp.float32),
            jax.ShapeDtypeStruct((_NC, _N, _DW), jnp.float32),
        ),
        mesh=plsc.VectorSubcoreMesh(core_axis_name="c", subcore_axis_name="s",
                                    num_cores=_NC, num_subcores=_NS),
        scratch_types=[
            pltpu.VMEM((_EPW,), jnp.int32),
            pltpu.VMEM((_EPW,), jnp.int32),
            pltpu.VMEM((_NBUF, _CHUNK, _D), jnp.float32),
            pltpu.VMEM((_CHUNK, _DW), jnp.float32),
            pltpu.VMEM_SHARED((_N, _D), jnp.float32),
            pltpu.VMEM_SHARED((_N, _DW), jnp.float32),
            pltpu.SemaphoreType.DMA((_NBUF,)),
        ],
        compiler_params=pltpu.CompilerParams(use_tc_tiling_on_sc=False),
    )


def kernel(x, edge_index, edge_attr, h, batch, W_l, b_l, W_r, b_r, gamma, beta):
    wcat = jnp.concatenate([W_l.T, W_r.T], axis=1)
    bias = (b_l + b_r).reshape(1, _D)
    g = gamma.reshape(1, _D)
    b = beta.reshape(1, _D)

    z, res = pl.pallas_call(
        _tc_pre,
        grid=(_N // _BR,),
        in_specs=[
            pl.BlockSpec((_BR, _D), lambda i: (i, 0)),
            pl.BlockSpec((_D, 2 * _D), lambda i: (0, 0)),
            pl.BlockSpec((1, _D), lambda i: (0, 0)),
            pl.BlockSpec((1, _D), lambda i: (0, 0)),
            pl.BlockSpec((1, _D), lambda i: (0, 0)),
        ],
        out_specs=[
            pl.BlockSpec((_BR, _D), lambda i: (i, 0)),
            pl.BlockSpec((_BR, _D), lambda i: (i, 0)),
        ],
        out_shape=[
            jax.ShapeDtypeStruct((_N, _D), jnp.float32),
            jax.ShapeDtypeStruct((_N, _D), jnp.float32),
        ],
    )(x, wcat, g, b, bias)

    zero = jnp.zeros((_RPT, _D), jnp.float32)
    zerod = jnp.zeros((_RPT, _DW), jnp.float32)
    ones = jnp.zeros((_CHUNK, _DW), jnp.float32).at[:, 0].set(1.0)
    acc, dega = _sc_scatter()(z, edge_index[0], edge_index[1],
                              zero, zerod, ones)

    out = pl.pallas_call(
        _tc_post,
        grid=(_N // _BRP,),
        in_specs=[
            pl.BlockSpec((_NC, _BRP, _D), lambda i: (0, i, 0)),
            pl.BlockSpec((_NC, _BRP, _DW), lambda i: (0, i, 0)),
            pl.BlockSpec((_BRP, _D), lambda i: (i, 0)),
        ],
        out_specs=pl.BlockSpec((_BRP, _D), lambda i: (i, 0)),
        out_shape=jax.ShapeDtypeStruct((_N, _D), jnp.float32),
    )(acc, dega, res)

    return (out, h)

# --- scband reference (transcript-rebuilt; emitter-appended) ---
"""Pipeline reference for scband-sage-21131239096358 (READ-ONLY COPY).

The authoritative reference and input builder live on the scoring server;
editing this copy changes nothing except your own understanding.
"""

import jax, jax.numpy as jnp
import numpy as np

N = 10000
E = 320000
D = 128
DE = 16


def _layernorm(x, gamma, beta, eps=1e-5):
    mu = jnp.mean(x, axis=-1, keepdims=True)
    var = jnp.mean((x - mu) ** 2, axis=-1, keepdims=True)
    return (x - mu) / jnp.sqrt(var + eps) * gamma + beta


def setup_inputs(seed: int = 0) -> dict:
    key = jax.random.key(seed)
    ks = jax.random.split(key, 10)
    x = jax.random.normal(ks[0], (N, D), dtype=jnp.float32)
    edge_index = jax.random.randint(ks[1], (2, E), 0, N, dtype=jnp.int32)
    edge_attr = jax.random.normal(ks[2], (E, DE), dtype=jnp.float32)
    h = jax.random.normal(ks[3], (N, D), dtype=jnp.float32)
    batch = jnp.zeros((N,), dtype=jnp.int32)
    s = 1.0 / np.sqrt(D)
    W_l = jax.random.uniform(ks[4], (D, D), dtype=jnp.float32, minval=-s, maxval=s)
    b_l = jnp.zeros((D,), dtype=jnp.float32)
    W_r = jax.random.uniform(ks[5], (D, D), dtype=jnp.float32, minval=-s, maxval=s)
    b_r = jnp.zeros((D,), dtype=jnp.float32)
    gamma = jnp.ones((D,), dtype=jnp.float32)
    beta = jnp.zeros((D,), dtype=jnp.float32)
    return {"x": x, "edge_index": edge_index, "edge_attr": edge_attr, "h": h,
            "batch": batch, "W_l": W_l, "b_l": b_l, "W_r": W_r, "b_r": b_r,
            "gamma": gamma, "beta": beta}


def reference(x, edge_index, edge_attr, h, batch, W_l, b_l, W_r, b_r, gamma, beta):
    identity = x
    xn = _layernorm(x, gamma, beta)
    src = edge_index[0]
    dst = edge_index[1]
    # SAGEConv with mean aggregation: out = lin_l(mean_{j in N(i)} x_j) + lin_r(x_i)
    msg = jnp.take(xn, src, axis=0)                       # gather  [E, D]
    agg = jax.ops.segment_sum(msg, dst, num_segments=N)   # scatter-add [N, D]
    deg = jax.ops.segment_sum(jnp.ones((E,), jnp.float32), dst, num_segments=N)
    mean = agg / jnp.clip(deg, 1.0)[:, None]
    out = mean @ W_l.T + b_l + xn @ W_r.T + b_r
    out = out + identity
    out = jax.nn.relu(out)
    return (out, h)

if __name__ == "__main__":
    import jax
    _d = setup_inputs()
    print(jax.jit(kernel)(*tuple(_d.values())))

</pallas_src>

<mosaic_0001>
#map = affine_map<(d0, d1) -> (0, 0)>
#map1 = affine_map<(d0, d1) -> (0)>
#map2 = affine_map<(d0, d1) -> (0, 0, 0)>
module attributes {stable_mosaic.version = 14 : i64} {
  func.func @_sc_body(%arg0: i32, %arg1: i32, %arg2: memref<10000x128xf32, #tpu.memory_space<hbm>>, %arg3: memref<320000xi32, #tpu.memory_space<hbm>>, %arg4: memref<320000xi32, #tpu.memory_space<hbm>>, %arg5: memref<625x128xf32, #tpu.memory_space<hbm>>, %arg6: memref<625x16xf32, #tpu.memory_space<hbm>>, %arg7: memref<64x16xf32, #tpu.memory_space<hbm>>, %arg8: memref<2x10000x128xf32, #tpu.memory_space<hbm>>, %arg9: memref<2x10000x16xf32, #tpu.memory_space<hbm>>, %arg10: memref<10000xi32, #tpu.memory_space<vmem>>, %arg11: memref<10000xi32, #tpu.memory_space<vmem>>, %arg12: memref<2x64x128xf32, #tpu.memory_space<vmem>>, %arg13: memref<64x16xf32, #tpu.memory_space<vmem>>, %arg14: memref<10000x128xf32, #tpu.memory_space<vmem_shared>>, %arg15: memref<10000x16xf32, #tpu.memory_space<vmem_shared>>, %arg16: memref<2x!tpu.dma_semaphore, #tpu.memory_space<semaphore_mem>>) attributes {dimension_semantics = [#tpu.dimension_semantics<core_parallel>, #tpu.dimension_semantics<subcore_parallel>], iteration_bounds = array<i64: 2, 16>, scalar_prefetch = 0 : i64, scratch_operands = 7 : i64, tpu.core_type = #tpu.core_type<sc_vector_subcore>, window_params = [{transform_indices = #map}, {transform_indices = #map1}, {transform_indices = #map1}, {transform_indices = #map}, {transform_indices = #map}, {transform_indices = #map}, {transform_indices = #map2}, {transform_indices = #map2}]} {
    %mul3A = arith.constant 16 : i32
    %mul3A_0 = arith.muli %arg0, %mul3A : i32
    %add3A = arith.addi %mul3A_0, %arg1 : i32
    %mul3A_1 = arith.constant 625 : i32
    %mul3A_2 = arith.muli %arg1, %mul3A_1 : i32
    "tpu.region"() ({
      %run_scoped3A_49 = tpu.sem_alloc : memref<!tpu.dma_semaphore, #tpu.memory_space<semaphore_mem>>
      %dma_start3A_50 = arith.constant 0 : i32
      %dma_start3A_51 = tpu.memref_slice %arg14[%mul3A_2, %dma_start3A_50] : memref<10000x128xf32, #tpu.memory_space<vmem_shared>> -> memref<625x128xf32, #tpu.memory_space<vmem_shared>>
      tpu.enqueue_dma source(%arg5 : memref<625x128xf32, #tpu.memory_space<hbm>>) target(%dma_start3A_51 : memref<625x128xf32, #tpu.memory_space<vmem_shared>>) target_semaphore(%run_scoped3A_49 : memref<!tpu.dma_semaphore, #tpu.memory_space<semaphore_mem>>)
      %dma_wait3A = arith.constant 0 : i32
      %dma_wait3A_52 = tpu.memref_slice %arg14[%mul3A_2, %dma_wait3A] : memref<10000x128xf32, #tpu.memory_space<vmem_shared>> -> memref<625x128xf32, #tpu.memory_space<vmem_shared>>
      tpu.wait_dma2 semaphore(%run_scoped3A_49 : memref<!tpu.dma_semaphore, #tpu.memory_space<semaphore_mem>>) src(%arg5 : memref<625x128xf32, #tpu.memory_space<hbm>>) dst(%dma_wait3A_52 : memref<625x128xf32, #tpu.memory_space<vmem_shared>>)
      tpu.yield
    }) : () -> ()
    %mul3A_3 = arith.constant 625 : i32
    %mul3A_4 = arith.muli %arg1, %mul3A_3 : i32
    "tpu.region"() ({
      %run_scoped3A_49 = tpu.sem_alloc : memref<!tpu.dma_semaphore, #tpu.memory_space<semaphore_mem>>
      %dma_start3A_50 = arith.constant 0 : i32
      %dma_start3A_51 = tpu.memref_slice %arg15[%mul3A_4, %dma_start3A_50] : memref<10000x16xf32, #tpu.memory_space<vmem_shared>> -> memref<625x16xf32, #tpu.memory_space<vmem_shared>>
      tpu.enqueue_dma source(%arg6 : memref<625x16xf32, #tpu.memory_space<hbm>>) target(%dma_start3A_51 : memref<625x16xf32, #tpu.memory_space<vmem_shared>>) target_semaphore(%run_scoped3A_49 : memref<!tpu.dma_semaphore, #tpu.memory_space<semaphore_mem>>)
      %dma_wait3A = arith.constant 0 : i32
      %dma_wait3A_52 = tpu.memref_slice %arg15[%mul3A_4, %dma_wait3A] : memref<10000x16xf32, #tpu.memory_space<vmem_shared>> -> memref<625x16xf32, #tpu.memory_space<vmem_shared>>
      tpu.wait_dma2 semaphore(%run_scoped3A_49 : memref<!tpu.dma_semaphore, #tpu.memory_space<semaphore_mem>>) src(%arg6 : memref<625x16xf32, #tpu.memory_space<hbm>>) dst(%dma_wait3A_52 : memref<625x16xf32, #tpu.memory_space<vmem_shared>>)
      tpu.yield
    }) : () -> ()
    %mul3A_5 = arith.constant 10000 : i32
    %mul3A_6 = arith.muli %add3A, %mul3A_5 : i32
    "tpu.region"() ({
      %run_scoped3A_49 = tpu.sem_alloc : memref<!tpu.dma_semaphore, #tpu.memory_space<semaphore_mem>>
      %dma_start3A_50 = tpu.memref_slice %arg3[%mul3A_6] : memref<320000xi32, #tpu.memory_space<hbm>> -> memref<10000xi32, #tpu.memory_space<hbm>>
      %dma_start3A_51 = tpu.memref_slice %arg3[%mul3A_6] : memref<320000xi32, #tpu.memory_space<hbm>> -> memref<10000xi32, #tpu.memory_space<hbm>>
      tpu.enqueue_dma source(%dma_start3A_51 : memref<10000xi32, #tpu.memory_space<hbm>>) target(%arg10 : memref<10000xi32, #tpu.memory_space<vmem>>) target_semaphore(%run_scoped3A_49 : memref<!tpu.dma_semaphore, #tpu.memory_space<semaphore_mem>>)
      %dma_wait3A = tpu.memref_slice %arg3[%mul3A_6] : memref<320000xi32, #tpu.memory_space<hbm>> -> memref<10000xi32, #tpu.memory_space<hbm>>
      %dma_wait3A_52 = tpu.memref_slice %arg3[%mul3A_6] : memref<320000xi32, #tpu.memory_space<hbm>> -> memref<10000xi32, #tpu.memory_space<hbm>>
      tpu.wait_dma2 semaphore(%run_scoped3A_49 : memref<!tpu.dma_semaphore, #tpu.memory_space<semaphore_mem>>) src(%dma_wait3A_52 : memref<10000xi32, #tpu.memory_space<hbm>>) dst(%arg10 : memref<10000xi32, #tpu.memory_space<vmem>>)
      tpu.yield
    }) : () -> ()
    %mul3A_7 = arith.constant 10000 : i32
    %mul3A_8 = arith.muli %add3A, %mul3A_7 : i32
    "tpu.region"() ({
      %run_scoped3A_49 = tpu.sem_alloc : memref<!tpu.dma_semaphore, #tpu.memory_space<semaphore_mem>>
      %dma_start3A_50 = tpu.memref_slice %arg4[%mul3A_8] : memref<320000xi32, #tpu.memory_space<hbm>> -> memref<10000xi32, #tpu.memory_space<hbm>>
      %dma_start3A_51 = tpu.memref_slice %arg4[%mul3A_8] : memref<320000xi32, #tpu.memory_space<hbm>> -> memref<10000xi32, #tpu.memory_space<hbm>>
      tpu.enqueue_dma source(%dma_start3A_51 : memref<10000xi32, #tpu.memory_space<hbm>>) target(%arg11 : memref<10000xi32, #tpu.memory_space<vmem>>) target_semaphore(%run_scoped3A_49 : memref<!tpu.dma_semaphore, #tpu.memory_space<semaphore_mem>>)
      %dma_wait3A = tpu.memref_slice %arg4[%mul3A_8] : memref<320000xi32, #tpu.memory_space<hbm>> -> memref<10000xi32, #tpu.memory_space<hbm>>
      %dma_wait3A_52 = tpu.memref_slice %arg4[%mul3A_8] : memref<320000xi32, #tpu.memory_space<hbm>> -> memref<10000xi32, #tpu.memory_space<hbm>>
      tpu.wait_dma2 semaphore(%run_scoped3A_49 : memref<!tpu.dma_semaphore, #tpu.memory_space<semaphore_mem>>) src(%dma_wait3A_52 : memref<10000xi32, #tpu.memory_space<hbm>>) dst(%arg11 : memref<10000xi32, #tpu.memory_space<vmem>>)
      tpu.yield
    }) : () -> ()
    "tpu.region"() ({
      %run_scoped3A_49 = tpu.sem_alloc : memref<!tpu.dma_semaphore, #tpu.memory_space<semaphore_mem>>
      tpu.enqueue_dma source(%arg7 : memref<64x16xf32, #tpu.memory_space<hbm>>) target(%arg13 : memref<64x16xf32, #tpu.memory_space<vmem>>) target_semaphore(%run_scoped3A_49 : memref<!tpu.dma_semaphore, #tpu.memory_space<semaphore_mem>>)
      tpu.wait_dma2 semaphore(%run_scoped3A_49 : memref<!tpu.dma_semaphore, #tpu.memory_space<semaphore_mem>>) src(%arg7 : memref<64x16xf32, #tpu.memory_space<hbm>>) dst(%arg13 : memref<64x16xf32, #tpu.memory_space<vmem>>)
      tpu.yield
    }) : () -> ()
    %barrier3A = arith.constant 0 : index
    tpu.barrier barrier_id(%barrier3A)
    %dma_start3A = arith.constant 0 : i32
    %dma_start3A_9 = arith.constant 0 : i32
    %dma_start3A_10 = arith.constant 0 : i32
    %dma_start3A_11 = arith.constant 0 : i32
    %dma_start3A_12 = tpu.memref_slice %arg12[%dma_start3A, %dma_start3A_10, %dma_start3A_11] : memref<2x64x128xf32, #tpu.memory_space<vmem>> -> memref<1x64x128xf32, #tpu.memory_space<vmem>>
    %dma_start3A_13 = tpu.memref_squeeze %dma_start3A_12 : memref<1x64x128xf32, #tpu.memory_space<vmem>> -> memref<64x128xf32, #tpu.memory_space<vmem>>
    %dma_start3A_14 = arith.constant 0 : i32
    %dma_start3A_15 = tpu.memref_slice %arg10[%dma_start3A_14] : memref<10000xi32, #tpu.memory_space<vmem>> -> memref<64xi32, #tpu.memory_space<vmem>>
    %dma_start3A_16 = arith.constant 0 : i32
    %dma_start3A_17 = arith.constant 0 : i32
    %dma_start3A_18 = tpu.memref_slice %arg2[%dma_start3A_16, %dma_start3A_17] : memref<10000x128xf32, #tpu.memory_space<hbm>> -> memref<10000x128xf32, #tpu.memory_space<hbm>>
    %dma_start3A_19 = tpu.memref_slice %arg16[%dma_start3A_9] : memref<2x!tpu.dma_semaphore, #tpu.memory_space<semaphore_mem>> -> memref<1x!tpu.dma_semaphore, #tpu.memory_space<semaphore_mem>>
    %dma_start3A_20 = tpu.memref_squeeze %dma_start3A_19 : memref<1x!tpu.dma_semaphore, #tpu.memory_space<semaphore_mem>> -> memref<!tpu.dma_semaphore, #tpu.memory_space<semaphore_mem>>
    tpu.enqueue_indirect_dma source(%dma_start3A_18 : memref<10000x128xf32, #tpu.memory_space<hbm>>) target(%dma_start3A_13 : memref<64x128xf32, #tpu.memory_space<vmem>>) offsets(%dma_start3A_15 : memref<64xi32, #tpu.memory_space<vmem>>) semaphore(%dma_start3A_20 : memref<!tpu.dma_semaphore, #tpu.memory_space<semaphore_mem>>)
    %dma_start3A_21 = arith.constant 1 : i32
    %dma_start3A_22 = arith.constant 1 : i32
    %dma_start3A_23 = arith.constant 0 : i32
    %dma_start3A_24 = arith.constant 0 : i32
    %dma_start3A_25 = tpu.memref_slice %arg12[%dma_start3A_21, %dma_start3A_23, %dma_start3A_24] : memref<2x64x128xf32, #tpu.memory_space<vmem>> -> memref<1x64x128xf32, #tpu.memory_space<vmem>>
    %dma_start3A_26 = tpu.memref_squeeze %dma_start3A_25 : memref<1x64x128xf32, #tpu.memory_space<vmem>> -> memref<64x128xf32, #tpu.memory_space<vmem>>
    %dma_start3A_27 = arith.constant 64 : i32
    %dma_start3A_28 = tpu.memref_slice %arg10[%dma_start3A_27] : memref<10000xi32, #tpu.memory_space<vmem>> -> memref<64xi32, #tpu.memory_space<vmem>>
    %dma_start3A_29 = arith.constant 0 : i32
    %dma_start3A_30 = arith.constant 0 : i32
    %dma_start3A_31 = tpu.memref_slice %arg2[%dma_start3A_29, %dma_start3A_30] : memref<10000x128xf32, #tpu.memory_space<hbm>> -> memref<10000x128xf32, #tpu.memory_space<hbm>>
    %dma_start3A_32 = tpu.memref_slice %arg16[%dma_start3A_22] : memref<2x!tpu.dma_semaphore, #tpu.memory_space<semaphore_mem>> -> memref<1x!tpu.dma_semaphore, #tpu.memory_space<semaphore_mem>>
    %dma_start3A_33 = tpu.memref_squeeze %dma_start3A_32 : memref<1x!tpu.dma_semaphore, #tpu.memory_space<semaphore_mem>> -> memref<!tpu.dma_semaphore, #tpu.memory_space<semaphore_mem>>
    tpu.enqueue_indirect_dma source(%dma_start3A_31 : memref<10000x128xf32, #tpu.memory_space<hbm>>) target(%dma_start3A_26 : memref<64x128xf32, #tpu.memory_space<vmem>>) offsets(%dma_start3A_28 : memref<64xi32, #tpu.memory_space<vmem>>) semaphore(%dma_start3A_33 : memref<!tpu.dma_semaphore, #tpu.memory_space<semaphore_mem>>)
    %scan3A = arith.constant 0 : i32
    %scan3A_34 = arith.constant 0 : i32
    %scan3A_35 = arith.constant 78 : i32
    %scan3A_36 = arith.addi %scan3A_34, %scan3A_35 : i32
    %scan3A_37 = arith.constant 1 : i32
    scf.for %scan3A_49 = %scan3A_34 to %scan3A_36 step %scan3A_37  : i32 {
      %mul3A_50 = arith.constant 2 : i32
      %mul3A_51 = arith.muli %scan3A_49, %mul3A_50 : i32
      %add3A_52 = arith.constant 0 : i32
      %add3A_53 = arith.addi %mul3A_51, %add3A_52 : i32
      %mul3A_54 = arith.constant 64 : i32
      %mul3A_55 = arith.muli %add3A_53, %mul3A_54 : i32
      %dma_wait3A = arith.constant 0 : i32
      %dma_wait3A_56 = arith.constant 0 : i32
      %dma_wait3A_57 = arith.constant 0 : i32
      %dma_wait3A_58 = arith.constant 0 : i32
      %dma_wait3A_59 = tpu.memref_slice %arg12[%dma_wait3A, %dma_wait3A_57, %dma_wait3A_58] : memref<2x64x128xf32, #tpu.memory_space<vmem>> -> memref<1x64x128xf32, #tpu.memory_space<vmem>>
      %dma_wait3A_60 = tpu.memref_squeeze %dma_wait3A_59 : memref<1x64x128xf32, #tpu.memory_space<vmem>> -> memref<64x128xf32, #tpu.memory_space<vmem>>
      %dma_wait3A_61 = tpu.memref_slice %arg10[%mul3A_55] : memref<10000xi32, #tpu.memory_space<vmem>> -> memref<64xi32, #tpu.memory_space<vmem>>
      %dma_wait3A_62 = arith.constant 0 : i32
      %dma_wait3A_63 = arith.constant 0 : i32
      %dma_wait3A_64 = tpu.memref_slice %arg2[%dma_wait3A_62, %dma_wait3A_63] : memref<10000x128xf32, #tpu.memory_space<hbm>> -> memref<10000x128xf32, #tpu.memory_space<hbm>>
      %dma_wait3A_65 = tpu.memref_slice %arg16[%dma_wait3A_56] : memref<2x!tpu.dma_semaphore, #tpu.memory_space<semaphore_mem>> -> memref<1x!tpu.dma_semaphore, #tpu.memory_space<semaphore_mem>>
      %dma_wait3A_66 = tpu.memref_squeeze %dma_wait3A_65 : memref<1x!tpu.dma_semaphore, #tpu.memory_space<semaphore_mem>> -> memref<!tpu.dma_semaphore, #tpu.memory_space<semaphore_mem>>
      tpu.wait_indirect_dma semaphore(%dma_wait3A_66 : memref<!tpu.dma_semaphore, #tpu.memory_space<semaphore_mem>>) src(%dma_wait3A_64 : memref<10000x128xf32, #tpu.memory_space<hbm>>) dst(%dma_wait3A_60 : memref<64x128xf32, #tpu.memory_space<vmem>>)
      %mul3A_67 = arith.constant 64 : i32
      %mul3A_68 = arith.muli %add3A_53, %mul3A_67 : i32
      %run_scoped3A_69 = arith.constant 0 : i32
      "tpu.region"() ({
        %run_scoped3A_106 = tpu.sem_alloc : memref<!tpu.dma_semaphore, #tpu.memory_space<semaphore_mem>>
        %dma_start3A_107 = arith.constant 0 : i32
        %dma_start3A_108 = arith.constant 0 : i32
        %dma_start3A_109 = tpu.memref_slice %arg12[%run_scoped3A_69, %dma_start3A_107, %dma_start3A_108] : memref<2x64x128xf32, #tpu.memory_space<vmem>> -> memref<1x64x128xf32, #tpu.memory_space<vmem>>
        %dma_start3A_110 = tpu.memref_squeeze %dma_start3A_109 : memref<1x64x128xf32, #tpu.memory_space<vmem>> -> memref<64x128xf32, #tpu.memory_space<vmem>>
        %dma_start3A_111 = tpu.memref_slice %arg11[%mul3A_68] : memref<10000xi32, #tpu.memory_space<vmem>> -> memref<64xi32, #tpu.memory_space<vmem>>
        %dma_start3A_112 = arith.constant 0 : i32
        %dma_start3A_113 = arith.constant 0 : i32
        %dma_start3A_114 = tpu.memref_slice %arg14[%dma_start3A_112, %dma_start3A_113] : memref<10000x128xf32, #tpu.memory_space<vmem_shared>> -> memref<10000x128xf32, #tpu.memory_space<vmem_shared>>
        tpu.enqueue_indirect_dma source(%dma_start3A_110 : memref<64x128xf32, #tpu.memory_space<vmem>>) target(%dma_start3A_114 : memref<10000x128xf32, #tpu.memory_space<vmem_shared>>) offsets(%dma_start3A_111 : memref<64xi32, #tpu.memory_space<vmem>>) semaphore(%run_scoped3A_106 : memref<!tpu.dma_semaphore, #tpu.memory_space<semaphore_mem>>) {add = true}
        %dma_wait3A_115 = arith.constant 0 : i32
        %dma_wait3A_116 = arith.constant 0 : i32
        %dma_wait3A_117 = tpu.memref_slice %arg12[%run_scoped3A_69, %dma_wait3A_115, %dma_wait3A_116] : memref<2x64x128xf32, #tpu.memory_space<vmem>> -> memref<1x64x128xf32, #tpu.memory_space<vmem>>
        %dma_wait3A_118 = tpu.memref_squeeze %dma_wait3A_117 : memref<1x64x128xf32, #tpu.memory_space<vmem>> -> memref<64x128xf32, #tpu.memory_space<vmem>>
        %dma_wait3A_119 = tpu.memref_slice %arg11[%mul3A_68] : memref<10000xi32, #tpu.memory_space<vmem>> -> memref<64xi32, #tpu.memory_space<vmem>>
        %dma_wait3A_120 = arith.constant 0 : i32
        %dma_wait3A_121 = arith.constant 0 : i32
        %dma_wait3A_122 = tpu.memref_slice %arg14[%dma_wait3A_120, %dma_wait3A_121] : memref<10000x128xf32, #tpu.memory_space<vmem_shared>> -> memref<10000x128xf32, #tpu.memory_space<vmem_shared>>
        tpu.wait_indirect_dma semaphore(%run_scoped3A_106 : memref<!tpu.dma_semaphore, #tpu.memory_space<semaphore_mem>>) src(%dma_wait3A_118 : memref<64x128xf32, #tpu.memory_space<vmem>>) dst(%dma_wait3A_122 : memref<10000x128xf32, #tpu.memory_space<vmem_shared>>)
        tpu.yield
      }) : () -> ()
      %mul3A_70 = arith.constant 64 : i32
      %mul3A_71 = arith.muli %add3A_53, %mul3A_70 : i32
      "tpu.region"() ({
        %run_scoped3A_106 = tpu.sem_alloc : memref<!tpu.dma_semaphore, #tpu.memory_space<semaphore_mem>>
        %dma_start3A_107 = tpu.memref_slice %arg11[%mul3A_71] : memref<10000xi32, #tpu.memory_space<vmem>> -> memref<64xi32, #tpu.memory_space<vmem>>
        %dma_start3A_108 = arith.constant 0 : i32
        %dma_start3A_109 = arith.constant 0 : i32
        %dma_start3A_110 = tpu.memref_slice %arg15[%dma_start3A_108, %dma_start3A_109] : memref<10000x16xf32, #tpu.memory_space<vmem_shared>> -> memref<10000x16xf32, #tpu.memory_space<vmem_shared>>
        tpu.enqueue_indirect_dma source(%arg13 : memref<64x16xf32, #tpu.memory_space<vmem>>) target(%dma_start3A_110 : memref<10000x16xf32, #tpu.memory_space<vmem_shared>>) offsets(%dma_start3A_107 : memref<64xi32, #tpu.memory_space<vmem>>) semaphore(%run_scoped3A_106 : memref<!tpu.dma_semaphore, #tpu.memory_space<semaphore_mem>>) {add = true}
        %dma_wait3A_111 = tpu.memref_slice %arg11[%mul3A_71] : memref<10000xi32, #tpu.memory_space<vmem>> -> memref<64xi32, #tpu.memory_space<vmem>>
        %dma_wait3A_112 = arith.constant 0 : i32
        %dma_wait3A_113 = arith.constant 0 : i32
        %dma_wait3A_114 = tpu.memref_slice %arg15[%dma_wait3A_112, %dma_wait3A_113] : memref<10000x16xf32, #tpu.memory_space<vmem_shared>> -> memref<10000x16xf32, #tpu.memory_space<vmem_shared>>
        tpu.wait_indirect_dma semaphore(%run_scoped3A_106 : memref<!tpu.dma_semaphore, #tpu.memory_space<semaphore_mem>>) src(%arg13 : memref<64x16xf32, #tpu.memory_space<vmem>>) dst(%dma_wait3A_114 : memref<10000x16xf32, #tpu.memory_space<vmem_shared>>)
        tpu.yield
      }) : () -> ()
      %add3A_72 = arith.constant 2 : i32
      %add3A_73 = arith.addi %add3A_53, %add3A_72 : i32
      %lt3A = arith.constant 156 : i32
      %lt3A_74 = arith.cmpi slt, %add3A_73, %lt3A : i32
      %convert_element_type3A = arith.extui %lt3A_74 : i1 to i32
      %cond3A = arith.constant 0 : i32
      %cond3A_75 = arith.cmpi ne, %convert_element_type3A, %cond3A : i32
      scf.if %cond3A_75 {
        %add3A_106 = arith.constant 2 : i32
        %add3A_107 = arith.addi %add3A_53, %add3A_106 : i32
        %mul3A_108 = arith.constant 64 : i32
        %mul3A_109 = arith.muli %add3A_107, %mul3A_108 : i32
        %dma_start3A_110 = arith.constant 0 : i32
        %dma_start3A_111 = arith.constant 0 : i32
        %dma_start3A_112 = arith.constant 0 : i32
        %dma_start3A_113 = arith.constant 0 : i32
        %dma_start3A_114 = tpu.memref_slice %arg12[%dma_start3A_110, %dma_start3A_112, %dma_start3A_113] : memref<2x64x128xf32, #tpu.memory_space<vmem>> -> memref<1x64x128xf32, #tpu.memory_space<vmem>>
        %dma_start3A_115 = tpu.memref_squeeze %dma_start3A_114 : memref<1x64x128xf32, #tpu.memory_space<vmem>> -> memref<64x128xf32, #tpu.memory_space<vmem>>
        %dma_start3A_116 = tpu.memref_slice %arg10[%mul3A_109] : memref<10000xi32, #tpu.memory_space<vmem>> -> memref<64xi32, #tpu.memory_space<vmem>>
        %dma_start3A_117 = arith.constant 0 : i32
        %dma_start3A_118 = arith.constant 0 : i32
        %dma_start3A_119 = tpu.memref_slice %arg2[%dma_start3A_117, %dma_start3A_118] : memref<10000x128xf32, #tpu.memory_space<hbm>> -> memref<10000x128xf32, #tpu.memory_space<hbm>>
        %dma_start3A_120 = tpu.memref_slice %arg16[%dma_start3A_111] : memref<2x!tpu.dma_semaphore, #tpu.memory_space<semaphore_mem>> -> memref<1x!tpu.dma_semaphore, #tpu.memory_space<semaphore_mem>>
        %dma_start3A_121 = tpu.memref_squeeze %dma_start3A_120 : memref<1x!tpu.dma_semaphore, #tpu.memory_space<semaphore_mem>> -> memref<!tpu.dma_semaphore, #tpu.memory_space<semaphore_mem>>
        tpu.enqueue_indirect_dma source(%dma_start3A_119 : memref<10000x128xf32, #tpu.memory_space<hbm>>) target(%dma_start3A_115 : memref<64x128xf32, #tpu.memory_space<vmem>>) offsets(%dma_start3A_116 : memref<64xi32, #tpu.memory_space<vmem>>) semaphore(%dma_start3A_121 : memref<!tpu.dma_semaphore, #tpu.memory_space<semaphore_mem>>)
      } else {
      }
      %mul3A_76 = arith.constant 2 : i32
      %mul3A_77 = arith.muli %scan3A_49, %mul3A_76 : i32
      %add3A_78 = arith.constant 1 : i32
      %add3A_79 = arith.addi %mul3A_77, %add3A_78 : i32
      %mul3A_80 = arith.constant 64 : i32
      %mul3A_81 = arith.muli %add3A_79, %mul3A_80 : i32
      %dma_wait3A_82 = arith.constant 1 : i32
      %dma_wait3A_83 = arith.constant 1 : i32
      %dma_wait3A_84 = arith.constant 0 : i32
      %dma_wait3A_85 = arith.constant 0 : i32
      %dma_wait3A_86 = tpu.memref_slice %arg12[%dma_wait3A_82, %dma_wait3A_84, %dma_wait3A_85] : memref<2x64x128xf32, #tpu.memory_space<vmem>> -> memref<1x64x128xf32, #tpu.memory_space<vmem>>
      %dma_wait3A_87 = tpu.memref_squeeze %dma_wait3A_86 : memref<1x64x128xf32, #tpu.memory_space<vmem>> -> memref<64x128xf32, #tpu.memory_space<vmem>>
      %dma_wait3A_88 = tpu.memref_slice %arg10[%mul3A_81] : memref<10000xi32, #tpu.memory_space<vmem>> -> memref<64xi32, #tpu.memory_space<vmem>>
      %dma_wait3A_89 = arith.constant 0 : i32
      %dma_wait3A_90 = arith.constant 0 : i32
      %dma_wait3A_91 = tpu.memref_slice %arg2[%dma_wait3A_89, %dma_wait3A_90] : memref<10000x128xf32, #tpu.memory_space<hbm>> -> memref<10000x128xf32, #tpu.memory_space<hbm>>
      %dma_wait3A_92 = tpu.memref_slice %arg16[%dma_wait3A_83] : memref<2x!tpu.dma_semaphore, #tpu.memory_space<semaphore_mem>> -> memref<1x!tpu.dma_semaphore, #tpu.memory_space<semaphore_mem>>
      %dma_wait3A_93 = tpu.memref_squeeze %dma_wait3A_92 : memref<1x!tpu.dma_semaphore, #tpu.memory_space<semaphore_mem>> -> memref<!tpu.dma_semaphore, #tpu.memory_space<semaphore_mem>>
      tpu.wait_indirect_dma semaphore(%dma_wait3A_93 : memref<!tpu.dma_semaphore, #tpu.memory_space<semaphore_mem>>) src(%dma_wait3A_91 : memref<10000x128xf32, #tpu.memory_space<hbm>>) dst(%dma_wait3A_87 : memref<64x128xf32, #tpu.memory_space<vmem>>)
      %mul3A_94 = arith.constant 64 : i32
      %mul3A_95 = arith.muli %add3A_79, %mul3A_94 : i32
      %run_scoped3A_96 = arith.constant 1 : i32
      "tpu.region"() ({
        %run_scoped3A_106 = tpu.sem_alloc : memref<!tpu.dma_semaphore, #tpu.memory_space<semaphore_mem>>
        %dma_start3A_107 = arith.constant 0 : i32
        %dma_start3A_108 = arith.constant 0 : i32
        %dma_start3A_109 = tpu.memref_slice %arg12[%run_scoped3A_96, %dma_start3A_107, %dma_start3A_108] : memref<2x64x128xf32, #tpu.memory_space<vmem>> -> memref<1x64x128xf32, #tpu.memory_space<vmem>>
        %dma_start3A_110 = tpu.memref_squeeze %dma_start3A_109 : memref<1x64x128xf32, #tpu.memory_space<vmem>> -> memref<64x128xf32, #tpu.memory_space<vmem>>
        %dma_start3A_111 = tpu.memref_slice %arg11[%mul3A_95] : memref<10000xi32, #tpu.memory_space<vmem>> -> memref<64xi32, #tpu.memory_space<vmem>>
        %dma_start3A_112 = arith.constant 0 : i32
        %dma_start3A_113 = arith.constant 0 : i32
        %dma_start3A_114 = tpu.memref_slice %arg14[%dma_start3A_112, %dma_start3A_113] : memref<10000x128xf32, #tpu.memory_space<vmem_shared>> -> memref<10000x128xf32, #tpu.memory_space<vmem_shared>>
        tpu.enqueue_indirect_dma source(%dma_start3A_110 : memref<64x128xf32, #tpu.memory_space<vmem>>) target(%dma_start3A_114 : memref<10000x128xf32, #tpu.memory_space<vmem_shared>>) offsets(%dma_start3A_111 : memref<64xi32, #tpu.memory_space<vmem>>) semaphore(%run_scoped3A_106 : memref<!tpu.dma_semaphore, #tpu.memory_space<semaphore_mem>>) {add = true}
        %dma_wait3A_115 = arith.constant 0 : i32
        %dma_wait3A_116 = arith.constant 0 : i32
        %dma_wait3A_117 = tpu.memref_slice %arg12[%run_scoped3A_96, %dma_wait3A_115, %dma_wait3A_116] : memref<2x64x128xf32, #tpu.memory_space<vmem>> -> memref<1x64x128xf32, #tpu.memory_space<vmem>>
        %dma_wait3A_118 = tpu.memref_squeeze %dma_wait3A_117 : memref<1x64x128xf32, #tpu.memory_space<vmem>> -> memref<64x128xf32, #tpu.memory_space<vmem>>
        %dma_wait3A_119 = tpu.memref_slice %arg11[%mul3A_95] : memref<10000xi32, #tpu.memory_space<vmem>> -> memref<64xi32, #tpu.memory_space<vmem>>
        %dma_wait3A_120 = arith.constant 0 : i32
        %dma_wait3A_121 = arith.constant 0 : i32
        %dma_wait3A_122 = tpu.memref_slice %arg14[%dma_wait3A_120, %dma_wait3A_121] : memref<10000x128xf32, #tpu.memory_space<vmem_shared>> -> memref<10000x128xf32, #tpu.memory_space<vmem_shared>>
        tpu.wait_indirect_dma semaphore(%run_scoped3A_106 : memref<!tpu.dma_semaphore, #tpu.memory_space<semaphore_mem>>) src(%dma_wait3A_118 : memref<64x128xf32, #tpu.memory_space<vmem>>) dst(%dma_wait3A_122 : memref<10000x128xf32, #tpu.memory_space<vmem_shared>>)
        tpu.yield
      }) : () -> ()
      %mul3A_97 = arith.constant 64 : i32
      %mul3A_98 = arith.muli %add3A_79, %mul3A_97 : i32
      "tpu.region"() ({
        %run_scoped3A_106 = tpu.sem_alloc : memref<!tpu.dma_semaphore, #tpu.memory_space<semaphore_mem>>
        %dma_start3A_107 = tpu.memref_slice %arg11[%mul3A_98] : memref<10000xi32, #tpu.memory_space<vmem>> -> memref<64xi32, #tpu.memory_space<vmem>>
        %dma_start3A_108 = arith.constant 0 : i32
        %dma_start3A_109 = arith.constant 0 : i32
        %dma_start3A_110 = tpu.memref_slice %arg15[%dma_start3A_108, %dma_start3A_109] : memref<10000x16xf32, #tpu.memory_space<vmem_shared>> -> memref<10000x16xf32, #tpu.memory_space<vmem_shared>>
        tpu.enqueue_indirect_dma source(%arg13 : memref<64x16xf32, #tpu.memory_space<vmem>>) target(%dma_start3A_110 : memref<10000x16xf32, #tpu.memory_space<vmem_shared>>) offsets(%dma_start3A_107 : memref<64xi32, #tpu.memory_space<vmem>>) semaphore(%run_scoped3A_106 : memref<!tpu.dma_semaphore, #tpu.memory_space<semaphore_mem>>) {add = true}
        %dma_wait3A_111 = tpu.memref_slice %arg11[%mul3A_98] : memref<10000xi32, #tpu.memory_space<vmem>> -> memref<64xi32, #tpu.memory_space<vmem>>
        %dma_wait3A_112 = arith.constant 0 : i32
        %dma_wait3A_113 = arith.constant 0 : i32
        %dma_wait3A_114 = tpu.memref_slice %arg15[%dma_wait3A_112, %dma_wait3A_113] : memref<10000x16xf32, #tpu.memory_space<vmem_shared>> -> memref<10000x16xf32, #tpu.memory_space<vmem_shared>>
        tpu.wait_indirect_dma semaphore(%run_scoped3A_106 : memref<!tpu.dma_semaphore, #tpu.memory_space<semaphore_mem>>) src(%arg13 : memref<64x16xf32, #tpu.memory_space<vmem>>) dst(%dma_wait3A_114 : memref<10000x16xf32, #tpu.memory_space<vmem_shared>>)
        tpu.yield
      }) : () -> ()
      %add3A_99 = arith.constant 2 : i32
      %add3A_100 = arith.addi %add3A_79, %add3A_99 : i32
      %lt3A_101 = arith.constant 156 : i32
      %lt3A_102 = arith.cmpi slt, %add3A_100, %lt3A_101 : i32
      %convert_element_type3A_103 = arith.extui %lt3A_102 : i1 to i32
      %cond3A_104 = arith.constant 0 : i32
      %cond3A_105 = arith.cmpi ne, %convert_element_type3A_103, %cond3A_104 : i32
      scf.if %cond3A_105 {
        %add3A_106 = arith.constant 2 : i32
        %add3A_107 = arith.addi %add3A_79, %add3A_106 : i32
        %mul3A_108 = arith.constant 64 : i32
        %mul3A_109 = arith.muli %add3A_107, %mul3A_108 : i32
        %dma_start3A_110 = arith.constant 1 : i32
        %dma_start3A_111 = arith.constant 1 : i32
        %dma_start3A_112 = arith.constant 0 : i32
        %dma_start3A_113 = arith.constant 0 : i32
        %dma_start3A_114 = tpu.memref_slice %arg12[%dma_start3A_110, %dma_start3A_112, %dma_start3A_113] : memref<2x64x128xf32, #tpu.memory_space<vmem>> -> memref<1x64x128xf32, #tpu.memory_space<vmem>>
        %dma_start3A_115 = tpu.memref_squeeze %dma_start3A_114 : memref<1x64x128xf32, #tpu.memory_space<vmem>> -> memref<64x128xf32, #tpu.memory_space<vmem>>
        %dma_start3A_116 = tpu.memref_slice %arg10[%mul3A_109] : memref<10000xi32, #tpu.memory_space<vmem>> -> memref<64xi32, #tpu.memory_space<vmem>>
        %dma_start3A_117 = arith.constant 0 : i32
        %dma_start3A_118 = arith.constant 0 : i32
        %dma_start3A_119 = tpu.memref_slice %arg2[%dma_start3A_117, %dma_start3A_118] : memref<10000x128xf32, #tpu.memory_space<hbm>> -> memref<10000x128xf32, #tpu.memory_space<hbm>>
        %dma_start3A_120 = tpu.memref_slice %arg16[%dma_start3A_111] : memref<2x!tpu.dma_semaphore, #tpu.memory_space<semaphore_mem>> -> memref<1x!tpu.dma_semaphore, #tpu.memory_space<semaphore_mem>>
        %dma_start3A_121 = tpu.memref_squeeze %dma_start3A_120 : memref<1x!tpu.dma_semaphore, #tpu.memory_space<semaphore_mem>> -> memref<!tpu.dma_semaphore, #tpu.memory_space<semaphore_mem>>
        tpu.enqueue_indirect_dma source(%dma_start3A_119 : memref<10000x128xf32, #tpu.memory_space<hbm>>) target(%dma_start3A_115 : memref<64x128xf32, #tpu.memory_space<vmem>>) offsets(%dma_start3A_116 : memref<64xi32, #tpu.memory_space<vmem>>) semaphore(%dma_start3A_121 : memref<!tpu.dma_semaphore, #tpu.memory_space<semaphore_mem>>)
      } else {
      }
    }
    %scan3A_38 = arith.constant 78 : i32
    %run_scoped3A = arith.constant 0 : i32
    "tpu.region"() ({
      %run_scoped3A_49 = tpu.sem_alloc : memref<!tpu.dma_semaphore, #tpu.memory_space<semaphore_mem>>
      %dma_start3A_50 = arith.constant 0 : i32
      %dma_start3A_51 = arith.constant 0 : i32
      %dma_start3A_52 = tpu.memref_slice %arg12[%run_scoped3A, %dma_start3A_50, %dma_start3A_51] : memref<2x64x128xf32, #tpu.memory_space<vmem>> -> memref<1x16x128xf32, #tpu.memory_space<vmem>>
      %dma_start3A_53 = tpu.memref_squeeze %dma_start3A_52 : memref<1x16x128xf32, #tpu.memory_space<vmem>> -> memref<16x128xf32, #tpu.memory_space<vmem>>
      %dma_start3A_54 = arith.constant 9984 : i32
      %dma_start3A_55 = tpu.memref_slice %arg10[%dma_start3A_54] : memref<10000xi32, #tpu.memory_space<vmem>> -> memref<16xi32, #tpu.memory_space<vmem>>
      %dma_start3A_56 = arith.constant 0 : i32
      %dma_start3A_57 = arith.constant 0 : i32
      %dma_start3A_58 = tpu.memref_slice %arg2[%dma_start3A_56, %dma_start3A_57] : memref<10000x128xf32, #tpu.memory_space<hbm>> -> memref<10000x128xf32, #tpu.memory_space<hbm>>
      tpu.enqueue_indirect_dma source(%dma_start3A_58 : memref<10000x128xf32, #tpu.memory_space<hbm>>) target(%dma_start3A_53 : memref<16x128xf32, #tpu.memory_space<vmem>>) offsets(%dma_start3A_55 : memref<16xi32, #tpu.memory_space<vmem>>) semaphore(%run_scoped3A_49 : memref<!tpu.dma_semaphore, #tpu.memory_space<semaphore_mem>>)
      %dma_wait3A = arith.constant 0 : i32
      %dma_wait3A_59 = arith.constant 0 : i32
      %dma_wait3A_60 = tpu.memref_slice %arg12[%run_scoped3A, %dma_wait3A, %dma_wait3A_59] : memref<2x64x128xf32, #tpu.memory_space<vmem>> -> memref<1x16x128xf32, #tpu.memory_space<vmem>>
      %dma_wait3A_61 = tpu.memref_squeeze %dma_wait3A_60 : memref<1x16x128xf32, #tpu.memory_space<vmem>> -> memref<16x128xf32, #tpu.memory_space<vmem>>
      %dma_wait3A_62 = arith.constant 9984 : i32
      %dma_wait3A_63 = tpu.memref_slice %arg10[%dma_wait3A_62] : memref<10000xi32, #tpu.memory_space<vmem>> -> memref<16xi32, #tpu.memory_space<vmem>>
      %dma_wait3A_64 = arith.constant 0 : i32
      %dma_wait3A_65 = arith.constant 0 : i32
      %dma_wait3A_66 = tpu.memref_slice %arg2[%dma_wait3A_64, %dma_wait3A_65] : memref<10000x128xf32, #tpu.memory_space<hbm>> -> memref<10000x128xf32, #tpu.memory_space<hbm>>
      tpu.wait_indirect_dma semaphore(%run_scoped3A_49 : memref<!tpu.dma_semaphore, #tpu.memory_space<semaphore_mem>>) src(%dma_wait3A_66 : memref<10000x128xf32, #tpu.memory_space<hbm>>) dst(%dma_wait3A_61 : memref<16x128xf32, #tpu.memory_space<vmem>>)
      tpu.yield
    }) : () -> ()
    %run_scoped3A_39 = arith.constant 0 : i32
    "tpu.region"() ({
      %run_scoped3A_49 = tpu.sem_alloc : memref<!tpu.dma_semaphore, #tpu.memory_space<semaphore_mem>>
      %dma_start3A_50 = arith.constant 0 : i32
      %dma_start3A_51 = arith.constant 0 : i32
      %dma_start3A_52 = tpu.memref_slice %arg12[%run_scoped3A_39, %dma_start3A_50, %dma_start3A_51] : memref<2x64x128xf32, #tpu.memory_space<vmem>> -> memref<1x16x128xf32, #tpu.memory_space<vmem>>
      %dma_start3A_53 = tpu.memref_squeeze %dma_start3A_52 : memref<1x16x128xf32, #tpu.memory_space<vmem>> -> memref<16x128xf32, #tpu.memory_space<vmem>>
      %dma_start3A_54 = arith.constant 9984 : i32
      %dma_start3A_55 = tpu.memref_slice %arg11[%dma_start3A_54] : memref<10000xi32, #tpu.memory_space<vmem>> -> memref<16xi32, #tpu.memory_space<vmem>>
      %dma_start3A_56 = arith.constant 0 : i32
      %dma_start3A_57 = arith.constant 0 : i32
      %dma_start3A_58 = tpu.memref_slice %arg14[%dma_start3A_56, %dma_start3A_57] : memref<10000x128xf32, #tpu.memory_space<vmem_shared>> -> memref<10000x128xf32, #tpu.memory_space<vmem_shared>>
      tpu.enqueue_indirect_dma source(%dma_start3A_53 : memref<16x128xf32, #tpu.memory_space<vmem>>) target(%dma_start3A_58 : memref<10000x128xf32, #tpu.memory_space<vmem_shared>>) offsets(%dma_start3A_55 : memref<16xi32, #tpu.memory_space<vmem>>) semaphore(%run_scoped3A_49 : memref<!tpu.dma_semaphore, #tpu.memory_space<semaphore_mem>>) {add = true}
      %dma_wait3A = arith.constant 0 : i32
      %dma_wait3A_59 = arith.constant 0 : i32
      %dma_wait3A_60 = tpu.memref_slice %arg12[%run_scoped3A_39, %dma_wait3A, %dma_wait3A_59] : memref<2x64x128xf32, #tpu.memory_space<vmem>> -> memref<1x16x128xf32, #tpu.memory_space<vmem>>
      %dma_wait3A_61 = tpu.memref_squeeze %dma_wait3A_60 : memref<1x16x128xf32, #tpu.memory_space<vmem>> -> memref<16x128xf32, #tpu.memory_space<vmem>>
      %dma_wait3A_62 = arith.constant 9984 : i32
      %dma_wait3A_63 = tpu.memref_slice %arg11[%dma_wait3A_62] : memref<10000xi32, #tpu.memory_space<vmem>> -> memref<16xi32, #tpu.memory_space<vmem>>
      %dma_wait3A_64 = arith.constant 0 : i32
      %dma_wait3A_65 = arith.constant 0 : i32
      %dma_wait3A_66 = tpu.memref_slice %arg14[%dma_wait3A_64, %dma_wait3A_65] : memref<10000x128xf32, #tpu.memory_space<vmem_shared>> -> memref<10000x128xf32, #tpu.memory_space<vmem_shared>>
      tpu.wait_indirect_dma semaphore(%run_scoped3A_49 : memref<!tpu.dma_semaphore, #tpu.memory_space<semaphore_mem>>) src(%dma_wait3A_61 : memref<16x128xf32, #tpu.memory_space<vmem>>) dst(%dma_wait3A_66 : memref<10000x128xf32, #tpu.memory_space<vmem_shared>>)
      tpu.yield
    }) : () -> ()
    "tpu.region"() ({
      %run_scoped3A_49 = tpu.sem_alloc : memref<!tpu.dma_semaphore, #tpu.memory_space<semaphore_mem>>
      %dma_start3A_50 = arith.constant 0 : i32
      %dma_start3A_51 = arith.constant 0 : i32
      %dma_start3A_52 = tpu.memref_slice %arg13[%dma_start3A_50, %dma_start3A_51] : memref<64x16xf32, #tpu.memory_space<vmem>> -> memref<16x16xf32, #tpu.memory_space<vmem>>
      %dma_start3A_53 = arith.constant 9984 : i32
      %dma_start3A_54 = tpu.memref_slice %arg11[%dma_start3A_53] : memref<10000xi32, #tpu.memory_space<vmem>> -> memref<16xi32, #tpu.memory_space<vmem>>
      %dma_start3A_55 = arith.constant 0 : i32
      %dma_start3A_56 = arith.constant 0 : i32
      %dma_start3A_57 = tpu.memref_slice %arg15[%dma_start3A_55, %dma_start3A_56] : memref<10000x16xf32, #tpu.memory_space<vmem_shared>> -> memref<10000x16xf32, #tpu.memory_space<vmem_shared>>
      tpu.enqueue_indirect_dma source(%dma_start3A_52 : memref<16x16xf32, #tpu.memory_space<vmem>>) target(%dma_start3A_57 : memref<10000x16xf32, #tpu.memory_space<vmem_shared>>) offsets(%dma_start3A_54 : memref<16xi32, #tpu.memory_space<vmem>>) semaphore(%run_scoped3A_49 : memref<!tpu.dma_semaphore, #tpu.memory_space<semaphore_mem>>) {add = true}
      %dma_wait3A = arith.constant 0 : i32
      %dma_wait3A_58 = arith.constant 0 : i32
      %dma_wait3A_59 = tpu.memref_slice %arg13[%dma_wait3A, %dma_wait3A_58] : memref<64x16xf32, #tpu.memory_space<vmem>> -> memref<16x16xf32, #tpu.memory_space<vmem>>
      %dma_wait3A_60 = arith.constant 9984 : i32
      %dma_wait3A_61 = tpu.memref_slice %arg11[%dma_wait3A_60] : memref<10000xi32, #tpu.memory_space<vmem>> -> memref<16xi32, #tpu.memory_space<vmem>>
      %dma_wait3A_62 = arith.constant 0 : i32
      %dma_wait3A_63 = arith.constant 0 : i32
      %dma_wait3A_64 = tpu.memref_slice %arg15[%dma_wait3A_62, %dma_wait3A_63] : memref<10000x16xf32, #tpu.memory_space<vmem_shared>> -> memref<10000x16xf32, #tpu.memory_space<vmem_shared>>
      tpu.wait_indirect_dma semaphore(%run_scoped3A_49 : memref<!tpu.dma_semaphore, #tpu.memory_space<semaphore_mem>>) src(%dma_wait3A_59 : memref<16x16xf32, #tpu.memory_space<vmem>>) dst(%dma_wait3A_64 : memref<10000x16xf32, #tpu.memory_space<vmem_shared>>)
      tpu.yield
    }) : () -> ()
    %barrier3A_40 = arith.constant 0 : index
    tpu.barrier barrier_id(%barrier3A_40)
    %mul3A_41 = arith.constant 625 : i32
    %mul3A_42 = arith.muli %arg1, %mul3A_41 : i32
    %mul3A_43 = arith.constant 625 : i32
    %mul3A_44 = arith.muli %arg1, %mul3A_43 : i32
    "tpu.region"() ({
      %run_scoped3A_49 = tpu.sem_alloc : memref<!tpu.dma_semaphore, #tpu.memory_space<semaphore_mem>>
      %dma_start3A_50 = arith.constant 0 : i32
      %dma_start3A_51 = tpu.memref_slice %arg8[%arg0, %mul3A_44, %dma_start3A_50] : memref<2x10000x128xf32, #tpu.memory_space<hbm>> -> memref<1x625x128xf32, #tpu.memory_space<hbm>>
      %dma_start3A_52 = tpu.memref_squeeze %dma_start3A_51 : memref<1x625x128xf32, #tpu.memory_space<hbm>> -> memref<625x128xf32, #tpu.memory_space<hbm>>
      %dma_start3A_53 = arith.constant 0 : i32
      %dma_start3A_54 = tpu.memref_slice %arg14[%mul3A_42, %dma_start3A_53] : memref<10000x128xf32, #tpu.memory_space<vmem_shared>> -> memref<625x128xf32, #tpu.memory_space<vmem_shared>>
      tpu.enqueue_dma source(%dma_start3A_54 : memref<625x128xf32, #tpu.memory_space<vmem_shared>>) target(%dma_start3A_52 : memref<625x128xf32, #tpu.memory_space<hbm>>) target_semaphore(%run_scoped3A_49 : memref<!tpu.dma_semaphore, #tpu.memory_space<semaphore_mem>>)
      %dma_wait3A = arith.constant 0 : i32
      %dma_wait3A_55 = tpu.memref_slice %arg8[%arg0, %mul3A_44, %dma_wait3A] : memref<2x10000x128xf32, #tpu.memory_space<hbm>> -> memref<1x625x128xf32, #tpu.memory_space<hbm>>
      %dma_wait3A_56 = tpu.memref_squeeze %dma_wait3A_55 : memref<1x625x128xf32, #tpu.memory_space<hbm>> -> memref<625x128xf32, #tpu.memory_space<hbm>>
      %dma_wait3A_57 = arith.constant 0 : i32
      %dma_wait3A_58 = tpu.memref_slice %arg14[%mul3A_42, %dma_wait3A_57] : memref<10000x128xf32, #tpu.memory_space<vmem_shared>> -> memref<625x128xf32, #tpu.memory_space<vmem_shared>>
      tpu.wait_dma2 semaphore(%run_scoped3A_49 : memref<!tpu.dma_semaphore, #tpu.memory_space<semaphore_mem>>) src(%dma_wait3A_58 : memref<625x128xf32, #tpu.memory_space<vmem_shared>>) dst(%dma_wait3A_56 : memref<625x128xf32, #tpu.memory_space<hbm>>)
      tpu.yield
    }) : () -> ()
    %mul3A_45 = arith.constant 625 : i32
    %mul3A_46 = arith.muli %arg1, %mul3A_45 : i32
    %mul3A_47 = arith.constant 625 : i32
    %mul3A_48 = arith.muli %arg1, %mul3A_47 : i32
    "tpu.region"() ({
      %run_scoped3A_49 = tpu.sem_alloc : memref<!tpu.dma_semaphore, #tpu.memory_space<semaphore_mem>>
      %dma_start3A_50 = arith.constant 0 : i32
      %dma_start3A_51 = tpu.memref_slice %arg9[%arg0, %mul3A_48, %dma_start3A_50] : memref<2x10000x16xf32, #tpu.memory_space<hbm>> -> memref<1x625x16xf32, #tpu.memory_space<hbm>>
      %dma_start3A_52 = tpu.memref_squeeze %dma_start3A_51 : memref<1x625x16xf32, #tpu.memory_space<hbm>> -> memref<625x16xf32, #tpu.memory_space<hbm>>
      %dma_start3A_53 = arith.constant 0 : i32
      %dma_start3A_54 = tpu.memref_slice %arg15[%mul3A_46, %dma_start3A_53] : memref<10000x16xf32, #tpu.memory_space<vmem_shared>> -> memref<625x16xf32, #tpu.memory_space<vmem_shared>>
      tpu.enqueue_dma source(%dma_start3A_54 : memref<625x16xf32, #tpu.memory_space<vmem_shared>>) target(%dma_start3A_52 : memref<625x16xf32, #tpu.memory_space<hbm>>) target_semaphore(%run_scoped3A_49 : memref<!tpu.dma_semaphore, #tpu.memory_space<semaphore_mem>>)
      %dma_wait3A = arith.constant 0 : i32
      %dma_wait3A_55 = tpu.memref_slice %arg9[%arg0, %mul3A_48, %dma_wait3A] : memref<2x10000x16xf32, #tpu.memory_space<hbm>> -> memref<1x625x16xf32, #tpu.memory_space<hbm>>
      %dma_wait3A_56 = tpu.memref_squeeze %dma_wait3A_55 : memref<1x625x16xf32, #tpu.memory_space<hbm>> -> memref<625x16xf32, #tpu.memory_space<hbm>>
      %dma_wait3A_57 = arith.constant 0 : i32
      %dma_wait3A_58 = tpu.memref_slice %arg15[%mul3A_46, %dma_wait3A_57] : memref<10000x16xf32, #tpu.memory_space<vmem_shared>> -> memref<625x16xf32, #tpu.memory_space<vmem_shared>>
      tpu.wait_dma2 semaphore(%run_scoped3A_49 : memref<!tpu.dma_semaphore, #tpu.memory_space<semaphore_mem>>) src(%dma_wait3A_58 : memref<625x16xf32, #tpu.memory_space<vmem_shared>>) dst(%dma_wait3A_56 : memref<625x16xf32, #tpu.memory_space<hbm>>)
      tpu.yield
    }) : () -> ()
    return
  }
}

module attributes {stable_mosaic.version = 14 : i64} {
  func.func @_tc_pre(%arg0: i32, %arg1: memref<2000x128xf32, #tpu.memory_space<vmem>>, %arg2: memref<128x256xf32, #tpu.memory_space<vmem>>, %arg3: memref<1x128xf32, #tpu.memory_space<vmem>>, %arg4: memref<1x128xf32, #tpu.memory_space<vmem>>, %arg5: memref<1x128xf32, #tpu.memory_space<vmem>>, %arg6: memref<2000x128xf32, #tpu.memory_space<vmem>>, %arg7: memref<2000x128xf32, #tpu.memory_space<vmem>>) attributes {dimension_semantics = [#tpu.dimension_semantics<arbitrary>], iteration_bounds = array<i64: 5>, scalar_prefetch = 0 : i64, scratch_operands = 0 : i64, tpu.core_type = #tpu.core_type<tc>, window_params = [{transform_indices = @transform_0, window_bounds = array<i64: 2000, 128>}, {pipeline_mode = #tpu.pipeline_mode<synchronous>, transform_indices = @transform_1, window_bounds = array<i64: 128, 256>}, {pipeline_mode = #tpu.pipeline_mode<synchronous>, transform_indices = @transform_2, window_bounds = array<i64: 1, 128>}, {pipeline_mode = #tpu.pipeline_mode<synchronous>, transform_indices = @transform_3, window_bounds = array<i64: 1, 128>}, {pipeline_mode = #tpu.pipeline_mode<synchronous>, transform_indices = @transform_4, window_bounds = array<i64: 1, 128>}, {transform_indices = @transform_5, window_bounds = array<i64: 2000, 128>}, {transform_indices = @transform_6, window_bounds = array<i64: 2000, 128>}]} {
    %get3A = arith.constant 0 : index
    %get3A_0 = arith.constant 0 : index
    %get3A_1 = vector.load %arg1[%get3A, %get3A_0] : memref<2000x128xf32, #tpu.memory_space<vmem>>, vector<2000x128xf32>
    %reduce_sum3A = arith.constant dense<0.000000e+00> : vector<2000xf32>
    %reduce_sum3A_2 = vector.multi_reduction <add>, %get3A_1, %reduce_sum3A [1] : vector<2000x128xf32> to vector<2000xf32>
    %broadcast_in_dim3A = vector.shape_cast %reduce_sum3A_2 : vector<2000xf32> to vector<2000x1xf32>
    %div3A = arith.constant 1.280000e+02 : f32
    %div3A_3 = vector.broadcast %div3A : f32 to vector<2000x1xf32>
    %div3A_4 = arith.divf %broadcast_in_dim3A, %div3A_3 : vector<2000x1xf32>
    %sub3A = vector.broadcast %div3A_4 : vector<2000x1xf32> to vector<2000x128xf32>
    %sub3A_5 = arith.subf %get3A_1, %sub3A : vector<2000x128xf32>
    %mul3A = arith.mulf %sub3A_5, %sub3A_5 : vector<2000x128xf32>
    %reduce_sum3A_6 = arith.constant dense<0.000000e+00> : vector<2000xf32>
    %reduce_sum3A_7 = vector.multi_reduction <add>, %mul3A, %reduce_sum3A_6 [1] : vector<2000x128xf32> to vector<2000xf32>
    %broadcast_in_dim3A_8 = vector.shape_cast %reduce_sum3A_7 : vector<2000xf32> to vector<2000x1xf32>
    %div3A_9 = arith.constant 1.280000e+02 : f32
    %div3A_10 = vector.broadcast %div3A_9 : f32 to vector<2000x1xf32>
    %div3A_11 = arith.divf %broadcast_in_dim3A_8, %div3A_10 : vector<2000x1xf32>
    %add3A = arith.constant 9.99999974E-6 : f32
    %add3A_12 = vector.broadcast %add3A : f32 to vector<2000x1xf32>
    %add3A_13 = arith.addf %div3A_11, %add3A_12 : vector<2000x1xf32>
    %rsqrt3A = math.rsqrt %add3A_13 : vector<2000x1xf32>
    %mul3A_14 = vector.broadcast %rsqrt3A : vector<2000x1xf32> to vector<2000x128xf32>
    %mul3A_15 = arith.mulf %sub3A_5, %mul3A_14 : vector<2000x128xf32>
    %get3A_16 = arith.constant 0 : index
    %get3A_17 = arith.constant 0 : index
    %get3A_18 = vector.load %arg3[%get3A_16, %get3A_17] : memref<1x128xf32, #tpu.memory_space<vmem>>, vector<1x128xf32>
    %mul3A_19 = vector.broadcast %get3A_18 : vector<1x128xf32> to vector<2000x128xf32>
    %mul3A_20 = arith.mulf %mul3A_15, %mul3A_19 : vector<2000x128xf32>
    %get3A_21 = arith.constant 0 : index
    %get3A_22 = arith.constant 0 : index
    %get3A_23 = vector.load %arg4[%get3A_21, %get3A_22] : memref<1x128xf32, #tpu.memory_space<vmem>>, vector<1x128xf32>
    %add3A_24 = vector.broadcast %get3A_23 : vector<1x128xf32> to vector<2000x128xf32>
    %add3A_25 = arith.addf %mul3A_20, %add3A_24 : vector<2000x128xf32>
    %get3A_26 = arith.constant 0 : index
    %get3A_27 = arith.constant 0 : index
    %get3A_28 = vector.load %arg2[%get3A_26, %get3A_27] : memref<128x256xf32, #tpu.memory_space<vmem>>, vector<128x256xf32>
    %dot_general3A = arith.constant dense<0.000000e+00> : vector<2000x256xf32>
    %dot_general3A_29 = tpu.matmul %add3A_25, %get3A_28, %dot_general3A {dimension_numbers = #tpu.dot_dimension_numbers<[1], [0], [0], [1], [0, 0, 1, 1], [], []>, transpose_lhs_hint = false} : vector<2000x128xf32>, vector<128x256xf32>, vector<2000x256xf32> -> vector<2000x256xf32>
    %slice3A = vector.extract_strided_slice %dot_general3A_29 {offsets = [0, 128], sizes = [2000, 128], strides = [1, 1]} : vector<2000x256xf32> to vector<2000x128xf32>
    %add3A_30 = arith.addf %slice3A, %get3A_1 : vector<2000x128xf32>
    %get3A_31 = arith.constant 0 : index
    %get3A_32 = arith.constant 0 : index
    %get3A_33 = vector.load %arg5[%get3A_31, %get3A_32] : memref<1x128xf32, #tpu.memory_space<vmem>>, vector<1x128xf32>
    %add3A_34 = vector.broadcast %get3A_33 : vector<1x128xf32> to vector<2000x128xf32>
    %add3A_35 = arith.addf %add3A_30, %add3A_34 : vector<2000x128xf32>
    %swap3A = arith.constant 0 : index
    %swap3A_36 = arith.constant 0 : index
    %swap3A_37 = vector.load %arg7[%swap3A, %swap3A_36] : memref<2000x128xf32, #tpu.memory_space<vmem>>, vector<2000x128xf32>
    tpu.vector_store %arg7[%swap3A, %swap3A_36], %add3A_35 {strides = array<i32>} : memref<2000x128xf32, #tpu.memory_space<vmem>>, vector<2000x128xf32>,
    %slice3A_38 = vector.extract_strided_slice %dot_general3A_29 {offsets = [0, 0], sizes = [2000, 128], strides = [1, 1]} : vector<2000x256xf32> to vector<2000x128xf32>
    %swap3A_39 = arith.constant 0 : index
    %swap3A_40 = arith.constant 0 : index
    %swap3A_41 = vector.load %arg6[%swap3A_39, %swap3A_40] : memref<2000x128xf32, #tpu.memory_space<vmem>>, vector<2000x128xf32>
    tpu.vector_store %arg6[%swap3A_39, %swap3A_40], %slice3A_38 {strides = array<i32>} : memref<2000x128xf32, #tpu.memory_space<vmem>>, vector<2000x128xf32>,
    return
  }
  func.func @transform_0(%arg0: i32) -> (i32, i32) {
    %c0_i32 = arith.constant 0 : i32
    %c0_i32_0 = arith.constant 0 : i32
    return %arg0, %c0_i32 : i32, i32
  }
  func.func @transform_1(%arg0: i32) -> (i32, i32) {
    %c0_i32 = arith.constant 0 : i32
    %c0_i32_0 = arith.constant 0 : i32
    %c0_i32_1 = arith.constant 0 : i32
    return %c0_i32, %c0_i32_0 : i32, i32
  }
  func.func @transform_2(%arg0: i32) -> (i32, i32) {
    %c0_i32 = arith.constant 0 : i32
    %c0_i32_0 = arith.constant 0 : i32
    %c0_i32_1 = arith.constant 0 : i32
    return %c0_i32, %c0_i32_0 : i32, i32
  }
  func.func @transform_3(%arg0: i32) -> (i32, i32) {
    %c0_i32 = arith.constant 0 : i32
    %c0_i32_0 = arith.constant 0 : i32
    %c0_i32_1 = arith.constant 0 : i32
    return %c0_i32, %c0_i32_0 : i32, i32
  }
  func.func @transform_4(%arg0: i32) -> (i32, i32) {
    %c0_i32 = arith.constant 0 : i32
    %c0_i32_0 = arith.constant 0 : i32
    %c0_i32_1 = arith.constant 0 : i32
    return %c0_i32, %c0_i32_0 : i32, i32
  }
  func.func @transform_5(%arg0: i32) -> (i32, i32) {
    %c0_i32 = arith.constant 0 : i32
    %c0_i32_0 = arith.constant 0 : i32
    return %arg0, %c0_i32 : i32, i32
  }
  func.func @transform_6(%arg0: i32) -> (i32, i32) {
    %c0_i32 = arith.constant 0 : i32
    %c0_i32_0 = arith.constant 0 : i32
    return %arg0, %c0_i32 : i32, i32
  }
}

module attributes {stable_mosaic.version = 14 : i64} {
  func.func @_tc_post(%arg0: i32, %arg1: memref<2x2000x128xf32, #tpu.memory_space<vmem>>, %arg2: memref<2x2000x16xf32, #tpu.memory_space<vmem>>, %arg3: memref<2000x128xf32, #tpu.memory_space<vmem>>, %arg4: memref<2000x128xf32, #tpu.memory_space<vmem>>) attributes {dimension_semantics = [#tpu.dimension_semantics<arbitrary>], iteration_bounds = array<i64: 5>, scalar_prefetch = 0 : i64, scratch_operands = 0 : i64, tpu.core_type = #tpu.core_type<tc>, window_params = [{transform_indices = @transform_0, window_bounds = array<i64: 2, 2000, 128>}, {transform_indices = @transform_1, window_bounds = array<i64: 2, 2000, 16>}, {transform_indices = @transform_2, window_bounds = array<i64: 2000, 128>}, {transform_indices = @transform_3, window_bounds = array<i64: 2000, 128>}]} {
    %get3A = arith.constant 0 : index
    %get3A_0 = arith.constant 0 : index
    %get3A_1 = arith.constant 0 : index
    %get3A_2 = vector.load %arg1[%get3A, %get3A_0, %get3A_1] : memref<2x2000x128xf32, #tpu.memory_space<vmem>>, vector<1x2000x128xf32>
    %get3A_3 = vector.shape_cast %get3A_2 : vector<1x2000x128xf32> to vector<2000x128xf32>
    %get3A_4 = arith.constant 1 : index
    %get3A_5 = arith.constant 0 : index
    %get3A_6 = arith.constant 0 : index
    %get3A_7 = vector.load %arg1[%get3A_4, %get3A_5, %get3A_6] : memref<2x2000x128xf32, #tpu.memory_space<vmem>>, vector<1x2000x128xf32>
    %get3A_8 = vector.shape_cast %get3A_7 : vector<1x2000x128xf32> to vector<2000x128xf32>
    %add3A = arith.addf %get3A_3, %get3A_8 : vector<2000x128xf32>
    %get3A_9 = arith.constant 0 : index
    %get3A_10 = arith.constant 0 : index
    %get3A_11 = arith.constant 0 : index
    %get3A_12 = vector.load %arg2[%get3A_9, %get3A_10, %get3A_11] : memref<2x2000x16xf32, #tpu.memory_space<vmem>>, vector<1x2000x1xf32>
    %get3A_13 = vector.shape_cast %get3A_12 : vector<1x2000x1xf32> to vector<2000x1xf32>
    %get3A_14 = arith.constant 1 : index
    %get3A_15 = arith.constant 0 : index
    %get3A_16 = arith.constant 0 : index
    %get3A_17 = vector.load %arg2[%get3A_14, %get3A_15, %get3A_16] : memref<2x2000x16xf32, #tpu.memory_space<vmem>>, vector<1x2000x1xf32>
    %get3A_18 = vector.shape_cast %get3A_17 : vector<1x2000x1xf32> to vector<2000x1xf32>
    %add3A_19 = arith.addf %get3A_13, %get3A_18 : vector<2000x1xf32>
    %max3A = arith.constant 1.000000e+00 : f32
    %max3A_20 = vector.broadcast %max3A : f32 to vector<2000x1xf32>
    %max3A_21 = arith.maximumf %add3A_19, %max3A_20 : vector<2000x1xf32>
    %div3A = vector.broadcast %max3A_21 : vector<2000x1xf32> to vector<2000x128xf32>
    %div3A_22 = arith.divf %add3A, %div3A : vector<2000x128xf32>
    %get3A_23 = arith.constant 0 : index
    %get3A_24 = arith.constant 0 : index
    %get3A_25 = vector.load %arg3[%get3A_23, %get3A_24] : memref<2000x128xf32, #tpu.memory_space<vmem>>, vector<2000x128xf32>
    %add3A_26 = arith.addf %div3A_22, %get3A_25 : vector<2000x128xf32>
    %max3A_27 = arith.constant 0.000000e+00 : f32
    %max3A_28 = vector.broadcast %max3A_27 : f32 to vector<2000x128xf32>
    %max3A_29 = arith.maximumf %add3A_26, %max3A_28 : vector<2000x128xf32>
    %swap3A = arith.constant 0 : index
    %swap3A_30 = arith.constant 0 : index
    %swap3A_31 = vector.load %arg4[%swap3A, %swap3A_30] : memref<2000x128xf32, #tpu.memory_space<vmem>>, vector<2000x128xf32>
    tpu.vector_store %arg4[%swap3A, %swap3A_30], %max3A_29 {strides = array<i32>} : memref<2000x128xf32, #tpu.memory_space<vmem>>, vector<2000x128xf32>,
    return
  }
  func.func @transform_0(%arg0: i32) -> (i32, i32, i32) {
    %c0_i32 = arith.constant 0 : i32
    %c0_i32_0 = arith.constant 0 : i32
    %c0_i32_1 = arith.constant 0 : i32
    return %c0_i32, %arg0, %c0_i32_0 : i32, i32, i32
  }
  func.func @transform_1(%arg0: i32) -> (i32, i32, i32) {
    %c0_i32 = arith.constant 0 : i32
    %c0_i32_0 = arith.constant 0 : i32
    %c0_i32_1 = arith.constant 0 : i32
    return %c0_i32, %arg0, %c0_i32_0 : i32, i32, i32
  }
  func.func @transform_2(%arg0: i32) -> (i32, i32) {
    %c0_i32 = arith.constant 0 : i32
    %c0_i32_0 = arith.constant 0 : i32
    return %arg0, %c0_i32 : i32, i32
  }
  func.func @transform_3(%arg0: i32) -> (i32, i32) {
    %c0_i32 = arith.constant 0 : i32
    %c0_i32_0 = arith.constant 0 : i32
    return %arg0, %c0_i32 : i32, i32
  }
}

</mosaic_0001>

<sc_bundles>
// kernel: kernel.5.cloned.1.call-start
scs
__scs_entry_jumppad:
0x0: {  	(pc) =	sbr.rel $0x88, $3  }
0x1: {  	(tag) =	ssettag $0x0;
	lr =	simm.s32 $0x1  }
0x2: {  	[smem:$0x3F98] =	sst lr;
	_ =	strace $0xD0000000  }
0x3: {  	_ = 	snop  }
0x4: {  	_ = 	snop  }
0x5: {  	_ = 	snop  }
0x6: {  	_ = 	snop  }
0x7: {  	_ = 	snop  }
__scs_overlays_trampoline_lowered:
0x8: {  	[smem:$0x3FA7] =	sst s0  }
0x9: {  	[smem:$0x3FA8] =	sst s1  }
0xa: {  	[smem:$0x3FA9] =	sst s2  }
0xb: {  	[smem:$0x3FAA] =	sst s3  }
0xc: {  	[smem:$0x3FAB] =	sst s4  }
0xd: {  	[smem:$0x3FAC] =	sst s5  }
0xe: {  	[smem:$0x3FAD] =	sst s6  }
0xf: {  	[smem:$0x3FAE] =	sst s7  }
0x10: {  	[smem:$0x3FAF] =	sst s8  }
0x11: {  	[smem:$0x3FB0] =	sst s9;
	s0 =	simm.s32 @!p0 $0x0  }
0x12: {  	s1 =	sld [smem:$0x3F96];
	s0 =	simm.s32 @p0 $0x1  }
0x13: {  	[smem:$0x3FB1] =	sst s0;
	s0 =	simm.s32 @!p1 $0x0  }
0x14: {  	s2 =	sld [smem:$0x3F95];
	s0 =	simm.s32 @p1 $0x1  }
0x15: {  	[smem:$0x3FB2] =	sst s0;
	s0 =	simm.s32 @!p2 $0x0  }
0x16: {  	s3 =	sld [smem:$0x3FDB];
	s0 =	simm.s32 @p2 $0x1  }
0x17: {  	s4 =	simm.s32 $0x1BF5;
	[smem:$0x3FB4] =	sst s0  }
0x18: {  	s0 =	sld [smem:$0x3F97];
	_ =	swait.ge [sflag:s4], $0x0  }
0x19: {  	s7 =	sld [smem:$0x3F98]  }
0x1a: {  	s8 =	sadd.s32 $0xFFFFE003, lr  }
0x1b: {  	s9 =	sadd.s32 $0xFFFFFEF7, lr;
	s5 =	simm.s32 $0xFFFFFFFF;
	p2 =	slt.u32 s8, $0xFFFFF086  }
0x1c: {  	p1 =	slt.u32 s9, $0xF7A;
	s5 =	simm.s32 @!p2 $0x0  }
0x1d: {  	s5 =	simm.s32 @p1 $0x1;
	p0 =	seq.s32 s7, s2  }
0x1e: {  	s7 =	smul.u32 @!p0 $0xF7A, s2;
	p2 =	seq.s32 @!p0 s5, $0x0  }
0x1f: {  	s9 =	smul.u32 $0xF7A, s1;
	s8 =	simm.s32 @!p0 $0x1BF5;
	p2 =	por !p2, p0  }
0x20: {  	[sflag:s8] =	ssyncset.s32 @!p0 $0xFFFFF086;
	s6 =	sadd.s32 @!p0 s3, s7;
	s7 =	simm.s32 @!p0 $0x108  }
0x21: {  	s3 =	sadd.s32 s3, s9;
	s6 =	sadd.s32 @!p0 $0x88, s6;
	s7 =	simm.s32 @p2 $0x1082  }
0x22: {  	[simem:s7], [sflag:s8] =	dma.local @!p0 [hbm:s6], $0xF7A  }
0x23: {  	s9 =	sor.u32 $0xD0000000, s2;
	s6 =	simm.s32 $0x108;
	_ =	swait.ge @!p0 [sflag:s8], $0x0  }
0x24: {  	s3 =	sadd.s32 $0x88, s3;
	s6 =	simm.s32 @!p1 $0x1082;
	[sflag:s4] =	ssyncset.s32 $0xFFFFF086  }
0x25: {  	[simem:s6], [sflag:s4] =	dma.local [hbm:s3], $0xF7A  }
0x26: {  	[smem:$0x3F98] =	sst s1;
	(tag) =	ssettag s2;
	_ =	strace s9  }
0x27: {  	s1 =	sld [smem:$0x3FA8]  }
0x28: {  	s2 =	sld [smem:$0x3FA9]  }
0x29: {  	s4 =	sld [smem:$0x3FAB]  }
0x2a: {  	p0 =	seq.s32 s5, $0x0;
	s5 =	sld [smem:$0x3FAC]  }
0x2b: {  	s6 =	sld [smem:$0x3FAD]  }
0x2c: {  	s7 =	sld [smem:$0x3FAE]  }
0x2d: {  	s3 =	simm.s32 $0x108;
	s8 =	sld [smem:$0x3FAF]  }
0x2e: {  	s3 =	simm.s32 @!p0 $0x1082;
	s9 =	sld [smem:$0x3FB0]  }
0x2f: {  	lr =	sadd.s32 s0, s3;
	s0 =	sld [smem:$0x3FA7]  }
0x30: {  	s3 =	sld [smem:$0x3FAA]  }
0x31: {  	[smem:$0x3FB3] =	sst s10  }
0x32: {  	s10 =	sld [smem:$0x3FB1];
	_ =	sdelay $0x3  }
0x33: {  	p0 =	seq.s32 s10, $0x1;
	s10 =	sld [smem:$0x3FB3];
	_ =	sdelay $0x3  }
0x34: {  	[smem:$0x3FB3] =	sst s10  }
0x35: {  	s10 =	sld [smem:$0x3FB2];
	_ =	sdelay $0x3  }
0x36: {  	p1 =	seq.s32 s10, $0x1;
	s10 =	sld [smem:$0x3FB3];
	_ =	sdelay $0x3  }
0x37: {  	[smem:$0x3FB3] =	sst s10  }
0x38: {  	s10 =	sld [smem:$0x3FB4]  }
0x39: {  	_ = 	snop;
	(pc) =	sbr.ind lr, $3  }
0x3a: {  	_ = 	snop  }
0x3b: {  	_ = 	snop  }
0x3c: {  	p2 =	seq.s32 s10, $0x1;
	s10 =	sld [smem:$0x3FB3]  }
0x3d: {  	_ =	shalt  }
0x3e: {  	_ =	shalt  }
0x3f: {  	_ =	shalt  }
0x40: {  	_ =	shalt  }
0x41: {  	_ =	shalt  }
0x42: {  	_ =	shalt  }
0x43: {  	_ =	shalt  }
0x44: {  	_ =	shalt  }
0x45: {  	_ =	shalt  }
0x46: {  	_ =	shalt  }
0x47: {  	_ =	shalt  }
0x48: {  	_ =	shalt  }
0x49: {  	_ =	shalt  }
0x4a: {  	_ =	shalt  }
0x4b: {  	_ =	shalt  }
0x4c: {  	_ =	shalt  }
0x4d: {  	_ =	shalt  }
0x4e: {  	_ =	shalt  }
0x4f: {  	_ =	shalt  }
0x50: {  	_ =	shalt  }
0x51: {  	_ =	shalt  }
0x52: {  	_ =	shalt  }
0x53: {  	_ =	shalt  }
0x54: {  	_ =	shalt  }
0x55: {  	_ =	shalt  }
0x56: {  	_ =	shalt  }
0x57: {  	_ =	shalt  }
0x58: {  	_ =	shalt  }
0x59: {  	_ =	shalt  }
0x5a: {  	_ =	shalt  }
0x5b: {  	_ =	shalt  }
0x5c: {  	_ =	shalt  }
0x5d: {  	_ =	shalt  }
0x5e: {  	_ =	shalt  }
0x5f: {  	_ =	shalt  }
0x60: {  	_ =	shalt  }
0x61: {  	_ =	shalt  }
0x62: {  	_ =	shalt  }
0x63: {  	_ =	shalt  }
0x64: {  	_ =	shalt  }
0x65: {  	_ =	shalt  }
0x66: {  	_ =	shalt  }
0x67: {  	_ =	shalt  }
0x68: {  	_ =	shalt  }
0x69: {  	_ =	shalt  }
0x6a: {  	_ =	shalt  }
0x6b: {  	_ =	shalt  }
0x6c: {  	_ =	shalt  }
0x6d: {  	_ =	shalt  }
0x6e: {  	_ =	shalt  }
0x6f: {  	_ =	shalt  }
0x70: {  	_ =	shalt  }
0x71: {  	_ =	shalt  }
0x72: {  	_ =	shalt  }
0x73: {  	_ =	shalt  }
0x74: {  	_ =	shalt  }
0x75: {  	_ =	shalt  }
0x76: {  	_ =	shalt  }
0x77: {  	_ =	shalt  }
0x78: {  	_ =	shalt  }
0x79: {  	_ =	shalt  }
0x7a: {  	_ =	shalt  }
0x7b: {  	_ =	shalt  }
0x7c: {  	_ =	shalt  }
0x7d: {  	_ =	shalt  }
0x7e: {  	_ =	shalt  }
0x7f: {  	_ =	shalt  }
0x80: {  	_ =	shalt  }
0x81: {  	_ =	shalt  }
0x82: {  	_ =	shalt  }
0x83: {  	_ =	shalt  }
0x84: {  	_ =	shalt  }
0x85: {  	_ =	shalt  }
0x86: {  	_ =	shalt  }
0x87: {  	_ =	shalt  }
.Lfunc_end0:
.L_simem_size_0:
called_computation_lowered:
.L_overlay_start_0:
0x88: {  	s2 =	sld [smem:$0x3FD9]  }
0x89: {  	s3 =	sld [smem:$0x3FFE];
	_ =	sdelay $0x1  }
0x8a: {  	s1 =	srdreg.scid  }
0x8b: {  	s0 =	sand.u32 $0x1, s1  }
0x8c: {  	s14 =	sshll.u32 s0, $0xA;
	s2 =	sadd.s32 s3, s2  }
0x8d: {  	s2 =	sadd.s32 s2, s14  }
0x8e: {  	[smem:$0x3FBF] =	sst s2  }
0x8f: {  	_ = 	snop  }
0x90: {  	s2 =	sld [smem:$0x3FD0];
	_ =	sdelay $0x2  }
0x91: {  	s15 =	simm.s32 $0xA;
	s4 =	simm.s32 $0x10  }
0x92: {  	[smem:s4], [sflag:s15] =	dma.local [hbm:s2], $0x1  }
0x93: {  	_ =	swait.eq [sflag:s15], $0x1  }
0x94: {  	[sflag:s15] =	ssyncset.done $0x0  }
0x95: {  	s16 =	sld [smem:$0x10];
	[sflag:s15] =	ssyncadd.s32 $0xFFFFFFFF  }
0x96: {  	s17 =	sld [smem:$0x11];
	(tm) =	ssettm $0x1  }
0x97: {  	s18 =	sld [smem:$0x3FFB];
	_ =	sdelay $0x3  }
0x98: {  	_ =	strace s18  }
0x99: {  	s4 =	sld [smem:$0x3FFC];
	_ =	sdelay $0x3  }
0x9a: {  	_ =	strace s4  }
0x9b: {  	s4 =	sld [smem:$0x3FFD];
	_ =	sdelay $0x3  }
0x9c: {  	_ =	strace s4  }
0x9d: {  	_ =	strace $0x8FFFFFFF  }
0x9e: {  	s19 =	sld [smem:$0x3FDB];
	_ =	sdelay $0x1  }
0x9f: {  	s5 =	simm.s32 $_scs_section_size  }
0xa0: {  	s6 =	simm.s32 $_size__tile_overlayer_lowered;
	s7 =	simm.s32 $_tile_overlayer_lowered  }
0xa1: {  	s22 =	simm.s32 $0x1BFF;
	s21 =	sshll.u32 s7, $0x1;
	s4 =	sadd.s32 s5, s19  }
0xa2: {  	s8 =	simm.s32 $0x0;
	s20 =	sshll.u32 s6, $0x1;
	s6 =	sadd.s32 s21, s4  }
0xa3: {  	[timem:s8], [sflag:s22] =	dma.local [hbm:s6], s20  }
0xa4: {  	_ =	swait.ge [sflag:s22], s20  }
0xa5: {  	s5 =	ssub.s32 $0x0, s20;
	[sflag:s22] =	ssyncset.done $0x0  }
0xa6: {  	[sflag:s22] =	ssyncadd.s32 s5;
	_ =	sdelay $0x1  }
0xa7: {  	s23 =	simm.s32 $0x1B8B  }
0xa8: {  	_ =	swait.ge [sflag:s23], $0x1  }
0xa9: {  	[sflag:s23] =	ssyncset.done $0x0  }
0xaa: {  	s25 =	simm.s32 $0x1B8E;
	s24 =	sld [smem:$0x3FFE];
	[sflag:s23] =	ssyncadd.s32 $0xFFFFFFFF  }
0xab: {  	s26 =	simm.s32 $execute0_lowered;
	[smem:$0x3FD2] =	sst s25  }
0xac: {  	s6 =	sshll.u32 s26, $0x1;
	_ =	strace $0x80000046;
	[dreg:$0x1] =	wrdreg $0xFFFFFFFF  }
0xad: {  	s28 =	simm.s32 $_size_execute0_lowered;
	s4 =	sadd.s32 s4, s6;
	[dreg:$0x0] =	wrdreg $0x0  }
0xae: {  	s6 =	sshll.u32 s28, $0x1;
	[dreg:$0x2] =	wrdreg s4  }
0xaf: {  	[dreg:$0x3] =	wrdreg s6  }
0xb0: {  	[dreg:$0x4] =	wrdreg $0xC0  }
0xb1: {  	_ =	task [dreg:s8], $0x5FFFF  }
0xb2: {  	[dreg:$0x1] =	wrdreg $0xFFFFFFFF  }
0xb3: {  	[dreg:$0x0] =	wrdreg $0x60  }
0xb4: {  	[dreg:$0x2] =	wrdreg s17  }
0xb5: {  	[dreg:$0x3] =	wrdreg s24  }
0xb6: {  	[dreg:$0x4] =	wrdreg s16  }
0xb7: {  	[dreg:$0x5] =	wrdreg $0x92200  }
0xb8: {  	[dreg:$0x6] =	wrdreg $0x1CAA00  }
0xb9: {  	[dreg:$0x7] =	wrdreg $0x9  }
0xba: {  	_ =	task.clear_ibuf [dreg:s8], $0x8FFFF;
	_ =	strace $0x90000046  }
0xbb: {  	s29 =	simm.s32 $0x9;
	_ =	strace $0x80000048  }
0xbc: {  	_ =	swait.ge [sflag:s29], $0x1  }
0xbd: {  	[sflag:s29] =	ssyncadd.s32 $0xFFFFFFFF  }
0xbe: {  	_ =	strace $0x90000048  }
0xbf: {  	_ =	sfence  }
0xc0: {  	s30 =	sld [smem:$0x0];
	_ =	sdelay $0x2  }
0xc1: {  	s31 =	sshll.u32 s1, $0xD;
	s1 =	sshrl.u32 s1, $0x2  }
0xc2: {  	s3 =	sand.u32 $0x4000, s31;
	s1 =	sadd.s32 s1, s30  }
0xc3: {  	s0 =	sor.u32 s3, s0;
	s1 =	sshll.u32 s1, $0x11  }
0xc4: {  	s0 =	sor.u32 s1, s0  }
0xc5: {  	s0 =	sadd.s32 $0x8F2B, s0  }
0xc6: {  	[sflag:s0] =	ssyncadd.remote.s32 $0x1  }
0xc7: {  	_ =	sfence.sel $0xFFFF  }
0xc8: {  	[dreg:$0x0] =	wrdreg $0xFFFFFFFF;
	(pc) =	sbr.abs _section_cstart, $3  }
0xc9: {  	[dreg:$0x1] =	wrdreg $0xFFFFFFFF  }
0xca: {  	_ =	task.clear_ibuf [dreg:s8], $0x2FFFF;
	_ =	strace $0x9FFFFFFF  }
0xcb: {  	(tm) =	ssettm $0x7FFFFFFF  }
tec
execute0_lowered:
.L_overlay_start_1:
0x0: {  	(tag) =	ssettag $0x1  }
0x1: {  	s0 =	rddreg [dreg:$0x0]  }
0x2: {  	s2 =	rddreg [dreg:$0x1]  }
0x3: {  	s1 =	srdreg.scid;
	s11 =	rddreg [dreg:$0x2]  }
0x4: {  	s17 =	stileid.u32;
	s3 =	rddreg [dreg:$0x3];
	s19 =	simm.s32 $0x8E20  }
0x5: {  	s20 =	simm.s32 $0x40;
	s21 =	simm.s32 $0x4E20;
	s28 =	simm.s32 $0x10  }
0x6: {  	s29 =	simm.s32 $0x2700;
	s30 =	simm.s32 $0x4E10;
	s9 =	smul.u32 $0x13880, s17  }
0x7: {  	s31 =	simm.s32 $0x0;
	s1 =	sand.u32 $0x1, s1;
	s13 =	smul.u32 $0x2710, s17  }
0x8: {  	s6 =	sadd.s32 $0xB200, s2;
	s7 =	sadd.s32 $0xDA00, s2;
	s8 =	sadd.s32 $0xB000, s2  }
0x9: {  	s24 =	sshll.u32 s17, $0x6;
	s4 =	sshll.u32 s1, $0x4;
	s10 =	smul.u32 $0x138800, s1  }
0xa: {  	s15 =	smul.u32 $0x27100, s1;
	s1 =	ssub.s32 $0x2, s1;
	s5 =	sor.u32 s17, s4  }
0xb: {  	s4 =	rddreg [dreg:$0x4];
	s23 =	sshrl.u32 s1, $0x1;
	s25 =	sadd.s32 s9, s3  }
0xc: {  	s12 =	smul.u32 $0x4E2, s5;
	s5 =	simm.s32 $0x0;
	s10 =	sadd.s32 s9, s10  }
0xd: {  	s15 =	sadd.s32 s13, s15;
	s1 =	ssub.s32 s1, s23;
	s9 =	sor.u32 $0x1C03, s24  }
0xe: {  	s26 =	sadd.s32 s13, s4;
	s23 =	simm.s32 $0x1;
	s24 =	simm.s32 $0x2  }
0xf: {  	[smem:$0x7FF] =	sst s5;
	s10 =	sshrl.u32 s10, $0x3;
	s22 =	sshrl.u32 s15, $0x3  }
0x10: {  	s15 =	sshrl.u32 s25, $0x3;
	s17 =	sshrl.u32 s26, $0x3;
	s25 =	simm.s32 $0x4D90  }
0x11: {  	s26 =	simm.s32 $0x4DD0;
	_ =	strace $0x80000047;
	s14 =	sadd.s32 s12, s2  }
0x12: {  	s16 =	sadd.s32 s10, s2;
	s2 =	sadd.s32 s22, s2;
	s11 =	sadd.s32 s11, s12  }
0x13: {  	s22 =	simm.s32 $0x6E20;
	s10 =	sadd.s32 $0x1200, s14;
	s12 =	sadd.s32 $0x17E00, s16  }
0x14: {  	s13 =	sadd.s32 $0xE000, s2;
	s14 =	smax.u32 s1, $0x1;
	s16 =	simm.s32 $0x3  }
.LBB2_1:
0x15: {  	[spmem:s15], [sflag:s9] =	dma.local [hbm:s6], $0x2710  }
0x16: {  	_ =	swait.ge [sflag:s16], $0x2710  }
0x17: {  	[sflag:s16] =	ssyncset.done $0x0  }
0x18: {  	[sflag:s16] =	ssyncadd.s32 $0xFFFFD8F0  }
0x19: {  	[spmem:s17], [sflag:s9] =	dma.local [hbm:s7], $0x4E2  }
0x1a: {  	_ =	swait.ge [sflag:s16], $0x4E2  }
0x1b: {  	[sflag:s16] =	ssyncset.done $0x0  }
0x1c: {  	[sflag:s16] =	ssyncadd.s32 $0xFFFFFB1E  }
0x1d: {  	[tilespmem:s5], [sflag:$0x3] =	stream.linear.gather [hbm4b:s10+s5], $0x2710, $0x38;
	[tilespmem:$0x1F1B0] =	vst v63  }
0x1e: {  	_ =	swait.ge [sflag:s16], $0x2710  }
0x1f: {  	[sflag:s16] =	ssyncset.done $0x0  }
0x20: {  	s1 =	simm.s32 $0x2710;
	[sflag:s16] =	ssyncadd.s32 $0xFFFFD8F0  }
0x21: {  	[tilespmem:s1], [sflag:$0x3] =	stream.linear.gather [hbm4b:s11+s5], $0x2710, $0x38;
	[tilespmem:$0x1F1B0] =	vst v63  }
0x22: {  	_ =	swait.ge [sflag:s16], $0x2710  }
0x23: {  	[sflag:s16] =	ssyncset.done $0x0  }
0x24: {  	[sflag:s16] =	ssyncadd.s32 $0xFFFFD8F0  }
0x25: {  	[tilespmem:s19], [sflag:$0x3] =	stream.linear.gather [hbm4b:s8+s5], $0x400, $0x38;
	[tilespmem:$0x1F1B0] =	vst v63  }
0x26: {  	_ =	swait.ge [sflag:s16], $0x400  }
0x27: {  	[sflag:s16] =	ssyncset.done $0x0  }
0x28: {  	[sflag:s16] =	ssyncadd.s32 $0xFFFFFC00  }
0x29: {  	[bflag:$0x0] =	sbarrier.arrive $0xFFFF  }
0x2a: {  	[tilespmem:s21], [sflag:$0x1] =	stream.indirect.gather [hbm4b:s0+s20], $0x80, s5, s20, $0xb8;
	[tilespmem:$0x1F1B0] =	vst v63  }
0x2b: {  	_ = 	snop  }
0x2c: {  	[tilespmem:s22], [sflag:$0x2] =	stream.indirect.gather [hbm4b:s0+s20], $0x80, s20, s20, $0xb8;
	[tilespmem:$0x1F1B0] =	vst v63  }
0x2d: {  	_ =	swait.ge [sflag:s23], $0x2000  }
0x2e: {  	[sflag:s23] =	ssyncset.done $0x0  }
0x2f: {  	s18 =	simm.s32 $0x2710;
	[sflag:s23] =	ssyncadd.s32 $0xFFFFE000  }
0x30: {  	[spmem:s3] =	stream.indirect.scatter.add.f32 [tilespmem:s21], [sflag:$0x3], $0x80, s18, s20, $0xb8;
	[tilespmem:$0x1F1B0] =	vst v63  }
0x31: {  	_ =	swait.ge [sflag:s16], $0x2000  }
0x32: {  	[sflag:s16] =	ssyncset.done $0x0  }
0x33: {  	[sflag:s16] =	ssyncadd.s32 $0xFFFFE000  }
0x34: {  	[spmem:s4] =	stream.indirect.scatter.add.f32 [tilespmem:s19], [sflag:$0x3], $0x10, s18, s20, $0xb8;
	[tilespmem:$0x1F1B0] =	vst v63  }
0x35: {  	_ =	swait.ge [sflag:s16], $0x400  }
0x36: {  	[sflag:s16] =	ssyncset.done $0x0  }
0x37: {  	s2 =	simm.s32 $0x80;
	[sflag:s16] =	ssyncadd.s32 $0xFFFFFC00  }
0x38: {  	[tilespmem:s21], [sflag:$0x1] =	stream.indirect.gather [hbm4b:s0+s20], $0x80, s2, s20, $0xb8;
	[tilespmem:$0x1F1B0] =	vst v63  }
0x39: {  	_ =	swait.ge [sflag:s24], $0x2000  }
0x3a: {  	[sflag:s24] =	ssyncset.done $0x0  }
0x3b: {  	s18 =	simm.s32 $0x2750;
	[sflag:s24] =	ssyncadd.s32 $0xFFFFE000  }
0x3c: {  	[spmem:s3] =	stream.indirect.scatter.add.f32 [tilespmem:s22], [sflag:$0x3], $0x80, s18, s20, $0xb8;
	[tilespmem:$0x1F1B0] =	vst v63  }
0x3d: {  	_ =	swait.ge [sflag:s16], $0x2000  }
0x3e: {  	[sflag:s16] =	ssyncset.done $0x0  }
0x3f: {  	[sflag:s16] =	ssyncadd.s32 $0xFFFFE000  }
0x40: {  	[spmem:s4] =	stream.indirect.scatter.add.f32 [tilespmem:s19], [sflag:$0x3], $0x10, s18, s20, $0xb8;
	[tilespmem:$0x1F1B0] =	vst v63  }
0x41: {  	_ =	swait.ge [sflag:s16], $0x400  }
0x42: {  	[sflag:s16] =	ssyncset.done $0x0  }
0x43: {  	s1 =	simm.s32 $0xC0;
	s2 =	simm.s32 $0x200;
	[sflag:s16] =	ssyncadd.s32 $0xFFFFFC00  }
.LBB2_2:
0x44: {  	[tilespmem:s22], [sflag:$0x2] =	stream.indirect.gather [hbm4b:s0+s20], $0x80, s1, s20, $0xb8;
	[tilespmem:$0x1F1B0] =	vst v63  }
0x45: {  	s1 =	smov.u32 s2  }
0x46: {  	p0 =	sne.s32 s2, $0x9800;
	s2 =	sadd.s32 $0x200, s2;
	_ =	swait.ge [sflag:s23], $0x2000  }
0x47: {  	s1 =	sshra.s32 s1, $0x2;
	[sflag:s23] =	ssyncset.done $0x0  }
0x48: {  	s18 =	sadd.s32 $0x2710, s1;
	[sflag:s23] =	ssyncadd.s32 $0xFFFFE000  }
0x49: {  	[spmem:s3] =	stream.indirect.scatter.add.f32 [tilespmem:s21], [sflag:$0x3], $0x80, s18, s20, $0xb8;
	[tilespmem:$0x1F1B0] =	vst v63  }
0x4a: {  	_ =	swait.ge [sflag:s16], $0x2000  }
0x4b: {  	[sflag:s16] =	ssyncset.done $0x0  }
0x4c: {  	[sflag:s16] =	ssyncadd.s32 $0xFFFFE000  }
0x4d: {  	[spmem:s4] =	stream.indirect.scatter.add.f32 [tilespmem:s19], [sflag:$0x3], $0x10, s18, s20, $0xb8;
	[tilespmem:$0x1F1B0] =	vst v63  }
0x4e: {  	_ =	swait.ge [sflag:s16], $0x400  }
0x4f: {  	[sflag:s16] =	ssyncset.done $0x0  }
0x50: {  	s18 =	sadd.s32 $0x80, s1;
	[sflag:s16] =	ssyncadd.s32 $0xFFFFFC00  }
0x51: {  	[tilespmem:s21], [sflag:$0x1] =	stream.indirect.gather [hbm4b:s0+s20], $0x80, s18, s20, $0xb8;
	[tilespmem:$0x1F1B0] =	vst v63  }
0x52: {  	_ =	swait.ge [sflag:s24], $0x2000  }
0x53: {  	[sflag:s24] =	ssyncset.done $0x0  }
0x54: {  	s18 =	sadd.s32 $0x2750, s1;
	[sflag:s24] =	ssyncadd.s32 $0xFFFFE000  }
0x55: {  	[spmem:s3] =	stream.indirect.scatter.add.f32 [tilespmem:s22], [sflag:$0x3], $0x80, s18, s20, $0xb8;
	[tilespmem:$0x1F1B0] =	vst v63  }
0x56: {  	_ =	swait.ge [sflag:s16], $0x2000  }
0x57: {  	[sflag:s16] =	ssyncset.done $0x0  }
.Ltmp0:
0x58: {  	[sflag:s16] =	ssyncadd.s32 $0xFFFFE000;
	(pc) =	sbr.rel @p0 .LBB2_2-.Ltmp0, $4  }
0x59: {  	[spmem:s4] =	stream.indirect.scatter.add.f32 [tilespmem:s19], [sflag:$0x3], $0x10, s18, s20, $0xb8;
	[tilespmem:$0x1F1B0] =	vst v63  }
0x5a: {  	_ =	swait.ge [sflag:s16], $0x400  }
0x5b: {  	[sflag:s16] =	ssyncset.done $0x0  }
0x5c: {  	s1 =	sadd.s32 $0xC0, s1;
	[sflag:s16] =	ssyncadd.s32 $0xFFFFFC00  }
0x5d: {  	[tilespmem:s22], [sflag:$0x2] =	stream.indirect.gather [hbm4b:s0+s20], $0x80, s1, s20, $0xb8;
	[tilespmem:$0x1F1B0] =	vst v63  }
0x5e: {  	_ =	swait.ge [sflag:s23], $0x2000  }
0x5f: {  	[sflag:s23] =	ssyncset.done $0x0  }
0x60: {  	[sflag:s23] =	ssyncadd.s32 $0xFFFFE000  }
0x61: {  	[spmem:s3] =	stream.indirect.scatter.add.f32 [tilespmem:s21], [sflag:$0x3], $0x80, s25, s20, $0xb8;
	[tilespmem:$0x1F1B0] =	vst v63  }
0x62: {  	_ =	swait.ge [sflag:s16], $0x2000  }
0x63: {  	[sflag:s16] =	ssyncset.done $0x0  }
0x64: {  	[sflag:s16] =	ssyncadd.s32 $0xFFFFE000  }
0x65: {  	[spmem:s4] =	stream.indirect.scatter.add.f32 [tilespmem:s19], [sflag:$0x3], $0x10, s25, s20, $0xb8;
	[tilespmem:$0x1F1B0] =	vst v63  }
0x66: {  	_ =	swait.ge [sflag:s16], $0x400  }
0x67: {  	[sflag:s16] =	ssyncset.done $0x0  }
0x68: {  	[sflag:s16] =	ssyncadd.s32 $0xFFFFFC00  }
0x69: {  	_ =	swait.ge [sflag:s24], $0x2000  }
0x6a: {  	[sflag:s24] =	ssyncset.done $0x0  }
0x6b: {  	[sflag:s24] =	ssyncadd.s32 $0xFFFFE000  }
0x6c: {  	[spmem:s3] =	stream.indirect.scatter.add.f32 [tilespmem:s22], [sflag:$0x3], $0x80, s26, s20, $0xb8;
	[tilespmem:$0x1F1B0] =	vst v63  }
0x6d: {  	_ =	swait.ge [sflag:s16], $0x2000  }
0x6e: {  	[sflag:s16] =	ssyncset.done $0x0  }
0x6f: {  	[sflag:s16] =	ssyncadd.s32 $0xFFFFE000  }
0x70: {  	[spmem:s4] =	stream.indirect.scatter.add.f32 [tilespmem:s19], [sflag:$0x3], $0x10, s26, s20, $0xb8;
	[tilespmem:$0x1F1B0] =	vst v63  }
0x71: {  	_ =	swait.ge [sflag:s16], $0x400  }
0x72: {  	[sflag:s16] =	ssyncset.done $0x0  }
0x73: {  	[sflag:s16] =	ssyncadd.s32 $0xFFFFFC00  }
0x74: {  	[tilespmem:s21], [sflag:$0x3] =	stream.indirect.gather [hbm4b:s0+s28], $0x80, s29, s28, $0xb8;
	[tilespmem:$0x1F1B0] =	vst v63  }
0x75: {  	_ =	swait.ge [sflag:s16], $0x800  }
0x76: {  	[sflag:s16] =	ssyncset.done $0x0  }
0x77: {  	[sflag:s16] =	ssyncadd.s32 $0xFFFFF800  }
0x78: {  	[spmem:s3] =	stream.indirect.scatter.add.f32 [tilespmem:s21], [sflag:$0x3], $0x80, s30, s28, $0xb8;
	[tilespmem:$0x1F1B0] =	vst v63  }
0x79: {  	_ =	swait.ge [sflag:s16], $0x800  }
0x7a: {  	[sflag:s16] =	ssyncset.done $0x0  }
0x7b: {  	[sflag:s16] =	ssyncadd.s32 $0xFFFFF800  }
0x7c: {  	[spmem:s4] =	stream.indirect.scatter.add.f32 [tilespmem:s19], [sflag:$0x3], $0x10, s30, s28, $0xb8;
	[tilespmem:$0x1F1B0] =	vst v63  }
0x7d: {  	_ =	swait.ge [sflag:s16], $0x100  }
0x7e: {  	[sflag:s16] =	ssyncset.done $0x0  }
0x7f: {  	[sflag:s16] =	ssyncadd.s32 $0xFFFFFF00  }
0x80: {  	[bflag:$0x0] =	sbarrier.arrive $0xFFFF  }
0x81: {  	[hbm:s12], [sflag:s9] =	dma.local [spmem:s15], $0x2710  }
0x82: {  	s31 =	sadd.s32 $0x1, s31;
	_ =	swait.ge [sflag:s16], $0x2710  }
0x83: {  	p0 =	sne.s32 s31, s14;
	[sflag:s16] =	ssyncset.done $0x0  }
.Ltmp1:
0x84: {  	[sflag:s16] =	ssyncadd.s32 $0xFFFFD8F0;
	(pc) =	sbr.rel @p0 .LBB2_1-.Ltmp1, $4  }
0x85: {  	[hbm:s13], [sflag:s9] =	dma.local [spmem:s17], $0x4E2  }
0x86: {  	_ =	swait.ge [sflag:s16], $0x4E2  }
0x87: {  	[sflag:s16] =	ssyncset.done $0x0  }
0x88: {  	[sflag:s16] =	ssyncadd.s32 $0xFFFFFB1E  }
0x89: {  	_ =	sfence.sel $0x180000  }
0x8a: {  	[bflag:$0x0] =	sbarrier.arrive $0xFFFF  }
0x8b: {  	_ =	strace $0x90000047  }
0x8c: {  	s0 =	stileid.u32;
	[bflag:$0x2] =	sbarrier.arrive $0xFFFF  }
0x8d: {  	p0 =	sne.s32 s0, $0x0;
	s0 =	rddreg [dreg:$0x5]  }
0x8e: {  	s0 =	sadd.s32 @!p0 $0x100000, s0  }
0x8f: {  	[sflag:s0] =	ssyncadd.tile.s32 @!p0 $0x1;
	_ =	shalt  }
.Lfunc_end2:
_tile_overlayer_lowered:
.L_overlay_start_2:
0x90: {  	(tag) =	ssettag $0x2  }
0x91: {  	s0 =	rddreg [dreg:$0x0];
	s2 =	stileid.u32  }
0x92: {  	s1 =	rddreg [dreg:$0x1];
	p0 =	sne.s32 s2, $0x0  }
0x93: {  	s3 =	rddreg [dreg:$0x2];
	[bflag:$0x3] =	sbarrier.arrive $0xFFFF;
	s2 =	simm.s32 @!p0 $0x1C03  }
0x94: {  	[timem:s3], [sflag:s2] =	dma.local @!p0 [hbm:s0], s1  }
0x95: {  	s0 =	simm.s32 @!p0 $0x3  }
0x96: {  	_ =	swait.ge @!p0 [sflag:s0], s1  }
0x97: {  	s1 =	ssub.s32 @!p0 $0x0, s1;
	[sflag:s0] =	ssyncset.done @!p0 $0x0  }
0x98: {  	[sflag:s0] =	ssyncadd.s32 @!p0 s1  }
0x99: {  	[bflag:$0x3] =	sbarrier.arrive $0xFFFF  }
0x9a: {  	_ =	shalt  }

</sc_bundles>
